<compile_context>
chip_gen: v7x
topology: tpu7x:2x2x1
jax: 0.10.2.dev20260603
libtpu: 0.0.44.dev20260713+nightly
codegen_flags: <defaults>
</compile_context>

<pallas_src>
import functools

import numpy as np
import jax
import jax.numpy as jnp
from jax import lax
from jax.experimental import pallas as pl
from jax.experimental.pallas import tpu as pltpu
from jax.experimental.pallas import tpu_sc as plsc

_SEQ = 200
_D = 128
_BATCH = 1024
_NW = 32
_ROWS = _BATCH * _SEQ
_RPW = _ROWS // _NW
_CH = 128
_NCHUNK = _RPW // _CH
_LANES = 8
_NBUF = 5
_AHEAD = 2
_PE_ROWS = 320


def _pe_ext() -> np.ndarray:
    even_i = np.arange(0, _D, 2, dtype=np.float32)
    denom = np.power(np.float32(10000.0), even_i / np.float32(_D))
    pos = np.arange(_SEQ, dtype=np.float32).reshape(_SEQ, 1)
    even = np.sin(pos / denom)
    odd = np.cos(pos / denom)
    pe = np.stack([even, odd], axis=2).reshape(_SEQ, _D).astype(np.float32)
    return np.concatenate([pe, pe[: _PE_ROWS - _SEQ]], axis=0)


_PE_EXT = _pe_ext()


def _sc_kernel(table_hbm, tokens_hbm, pe_hbm, out_hbm, *scratch):
    idx_v = scratch[0]
    rows = scratch[1:1 + _NBUF]
    pe_v = scratch[1 + _NBUF]
    gs = scratch[2 + _NBUF:2 + 2 * _NBUF]
    ws = scratch[2 + 2 * _NBUF:2 + 3 * _NBUF]

    wid = lax.axis_index("s") * 2 + lax.axis_index("c")
    base_w = wid * _RPW

    pltpu.sync_copy(tokens_hbm.at[wid], idx_v)
    pe_cp = pltpu.async_copy(pe_hbm, pe_v, ws[_NBUF - 1])

    for c in range(_AHEAD):
        pltpu.async_copy(table_hbm.at[idx_v.at[c]], rows[c], gs[c])
    pe_cp.wait()

    def group(g, _):
        for off in range(_NBUF):
            c = g * _NBUF + off
            b = off
            nb = (b + _AHEAD) % _NBUF

            @pl.when(c + _AHEAD < _NCHUNK)
            def _refill():
                @pl.when(c >= _NBUF - _AHEAD)
                def _drain():
                    pltpu.make_async_copy(
                        rows[nb],
                        out_hbm.at[
                            pl.ds(base_w + (c - (_NBUF - _AHEAD)) * _CH,
                                  _CH)],
                        ws[nb]).wait()
                pltpu.async_copy(
                    table_hbm.at[idx_v.at[c + _AHEAD]], rows[nb], gs[nb])

            pltpu.make_async_copy(
                table_hbm.at[idx_v.at[c]], rows[b], gs[b]).wait()

            s0 = lax.rem(c * _CH, _SEQ)
            rows_b = rows[b]

            @plsc.parallel_loop(0, _CH, unroll=4)
            def _add(k):
                s = s0 + k
                for d in range(_LANES):
                    sl = pl.ds(d * 16, 16)
                    rows_b[k, sl] = rows_b[k, sl] + pe_v[s, sl]

            pltpu.async_copy(
                rows_b, out_hbm.at[pl.ds(base_w + c * _CH, _CH)], ws[b])
        return ()

    lax.fori_loop(0, _NCHUNK // _NBUF, group, ())

    for off in range(_NBUF):
        c = _NCHUNK - _NBUF + off
        pltpu.make_async_copy(
            rows[off], out_hbm.at[pl.ds(base_w + c * _CH, _CH)],
            ws[off]).wait()


@jax.jit
def _run(tokens_slab, table, pe):
    mesh = plsc.VectorSubcoreMesh(core_axis_name="c", subcore_axis_name="s")
    f = functools.partial(
        pl.kernel,
        mesh=mesh,
        out_type=jax.ShapeDtypeStruct((_ROWS, _D), jnp.float32),
        scratch_types=[
            pltpu.VMEM((_NCHUNK, _CH), jnp.int32),
            *[pltpu.VMEM((_CH, _D), jnp.float32) for _ in range(_NBUF)],
            pltpu.VMEM((_PE_ROWS, _D), jnp.float32),
            *[pltpu.SemaphoreType.DMA for _ in range(2 * _NBUF)],
        ],
    )(_sc_kernel)
    return f(table, tokens_slab, pe)


def kernel(tokens, embedding_table):
    tokens_slab = tokens.astype(jnp.int32).reshape(_NW, _NCHUNK, _CH)
    pe = jnp.asarray(_PE_EXT)
    out = _run(tokens_slab, embedding_table, pe)
    return out.reshape(_BATCH, _SEQ, _D)

# --- scband reference (transcript-rebuilt; emitter-appended) ---
"""Pipeline reference for scband-sentence-embedding-74998718923416 (READ-ONLY COPY).

The authoritative reference and input builder live on the scoring server;
editing this copy changes nothing except your own understanding.
"""

import jax, jax.numpy as jnp
import numpy as np

MAX_SEQ_LEN = 200
D_MODEL = 128
VOCAB_SIZE = 100000
BATCH = 1024


def positional_encoding(max_seq_len, d_model):
    even_i = jnp.arange(0, d_model, 2).astype(jnp.float32)
    denominator = jnp.power(10000.0, even_i / d_model)
    position = jnp.arange(max_seq_len, dtype=jnp.float32).reshape(max_seq_len, 1)
    even_PE = jnp.sin(position / denominator)
    odd_PE = jnp.cos(position / denominator)
    stacked = jnp.stack([even_PE, odd_PE], axis=2)
    PE = stacked.reshape(max_seq_len, d_model)
    return PE


def setup_inputs(seed: int = 0) -> dict:
    key = jax.random.key(seed)
    k_tok, k_emb = jax.random.split(key)
    tokens = jax.random.randint(k_tok, (BATCH, MAX_SEQ_LEN), 0, VOCAB_SIZE, dtype=jnp.int64 if jax.config.jax_enable_x64 else jnp.int32)
    embedding_table = jax.random.normal(k_emb, (VOCAB_SIZE, D_MODEL), dtype=jnp.float32)
    return {"tokens": tokens, "embedding_table": embedding_table}


def reference(tokens, embedding_table):
    # Faithful translation of SentenceEmbedding.forward with pre-tokenized input.
    # batch_tokenize is pure python string preprocessing -> represented as `tokens`.
    x = jnp.take(embedding_table, tokens, axis=0)  # nn.Embedding lookup
    pos = positional_encoding(MAX_SEQ_LEN, D_MODEL)  # PositionalEncoding.forward()
    x = x + pos  # broadcast over batch
    # dropout with p=0.1 in eval mode is identity
    return x

if __name__ == "__main__":
    import jax
    _d = setup_inputs()
    print(jax.jit(kernel)(*tuple(_d.values())))

</pallas_src>

<mosaic_0001>
#map = affine_map<(d0, d1) -> (0, 0)>
#map1 = affine_map<(d0, d1) -> (0, 0, 0)>
module attributes {stable_mosaic.version = 14 : i64} {
  func.func @_sc_kernel(%arg0: i32, %arg1: i32, %arg2: memref<100000x128xf32, #tpu.memory_space<hbm>>, %arg3: memref<32x50x128xi32, #tpu.memory_space<hbm>>, %arg4: memref<320x128xf32, #tpu.memory_space<hbm>>, %arg5: memref<204800x128xf32, #tpu.memory_space<hbm>>, %arg6: memref<50x128xi32, #tpu.memory_space<vmem>>, %arg7: memref<128x128xf32, #tpu.memory_space<vmem>>, %arg8: memref<128x128xf32, #tpu.memory_space<vmem>>, %arg9: memref<128x128xf32, #tpu.memory_space<vmem>>, %arg10: memref<128x128xf32, #tpu.memory_space<vmem>>, %arg11: memref<128x128xf32, #tpu.memory_space<vmem>>, %arg12: memref<320x128xf32, #tpu.memory_space<vmem>>, %arg13: memref<!tpu.dma_semaphore, #tpu.memory_space<semaphore_mem>>, %arg14: memref<!tpu.dma_semaphore, #tpu.memory_space<semaphore_mem>>, %arg15: memref<!tpu.dma_semaphore, #tpu.memory_space<semaphore_mem>>, %arg16: memref<!tpu.dma_semaphore, #tpu.memory_space<semaphore_mem>>, %arg17: memref<!tpu.dma_semaphore, #tpu.memory_space<semaphore_mem>>, %arg18: memref<!tpu.dma_semaphore, #tpu.memory_space<semaphore_mem>>, %arg19: memref<!tpu.dma_semaphore, #tpu.memory_space<semaphore_mem>>, %arg20: memref<!tpu.dma_semaphore, #tpu.memory_space<semaphore_mem>>, %arg21: memref<!tpu.dma_semaphore, #tpu.memory_space<semaphore_mem>>, %arg22: memref<!tpu.dma_semaphore, #tpu.memory_space<semaphore_mem>>) attributes {dimension_semantics = [#tpu.dimension_semantics<core_parallel>, #tpu.dimension_semantics<subcore_parallel>], iteration_bounds = array<i64: 2, 16>, scalar_prefetch = 0 : i64, scratch_operands = 17 : i64, tpu.core_type = #tpu.core_type<sc_vector_subcore>, window_params = [{transform_indices = #map}, {transform_indices = #map1}, {transform_indices = #map}, {transform_indices = #map}]} {
    %mul3A = arith.constant 2 : i32
    %mul3A_0 = arith.muli %arg1, %mul3A : i32
    %add3A = arith.addi %mul3A_0, %arg0 : i32
    %mul3A_1 = arith.constant 6400 : i32
    %mul3A_2 = arith.muli %add3A, %mul3A_1 : i32
    "tpu.region"() ({
      %run_scoped3A = tpu.sem_alloc : memref<!tpu.dma_semaphore, #tpu.memory_space<semaphore_mem>>
      %dma_start3A_49 = arith.constant 0 : i32
      %dma_start3A_50 = arith.constant 0 : i32
      %dma_start3A_51 = tpu.memref_slice %arg3[%add3A, %dma_start3A_49, %dma_start3A_50] : memref<32x50x128xi32, #tpu.memory_space<hbm>> -> memref<1x50x128xi32, #tpu.memory_space<hbm>>
      %dma_start3A_52 = tpu.memref_squeeze %dma_start3A_51 : memref<1x50x128xi32, #tpu.memory_space<hbm>> -> memref<50x128xi32, #tpu.memory_space<hbm>>
      %dma_start3A_53 = arith.constant 0 : i32
      %dma_start3A_54 = arith.constant 0 : i32
      %dma_start3A_55 = tpu.memref_slice %arg3[%add3A, %dma_start3A_53, %dma_start3A_54] : memref<32x50x128xi32, #tpu.memory_space<hbm>> -> memref<1x50x128xi32, #tpu.memory_space<hbm>>
      %dma_start3A_56 = tpu.memref_squeeze %dma_start3A_55 : memref<1x50x128xi32, #tpu.memory_space<hbm>> -> memref<50x128xi32, #tpu.memory_space<hbm>>
      tpu.enqueue_dma source(%dma_start3A_56 : memref<50x128xi32, #tpu.memory_space<hbm>>) target(%arg6 : memref<50x128xi32, #tpu.memory_space<vmem>>) target_semaphore(%run_scoped3A : memref<!tpu.dma_semaphore, #tpu.memory_space<semaphore_mem>>)
      %dma_wait3A_57 = arith.constant 0 : i32
      %dma_wait3A_58 = arith.constant 0 : i32
      %dma_wait3A_59 = tpu.memref_slice %arg3[%add3A, %dma_wait3A_57, %dma_wait3A_58] : memref<32x50x128xi32, #tpu.memory_space<hbm>> -> memref<1x50x128xi32, #tpu.memory_space<hbm>>
      %dma_wait3A_60 = tpu.memref_squeeze %dma_wait3A_59 : memref<1x50x128xi32, #tpu.memory_space<hbm>> -> memref<50x128xi32, #tpu.memory_space<hbm>>
      %dma_wait3A_61 = arith.constant 0 : i32
      %dma_wait3A_62 = arith.constant 0 : i32
      %dma_wait3A_63 = tpu.memref_slice %arg3[%add3A, %dma_wait3A_61, %dma_wait3A_62] : memref<32x50x128xi32, #tpu.memory_space<hbm>> -> memref<1x50x128xi32, #tpu.memory_space<hbm>>
      %dma_wait3A_64 = tpu.memref_squeeze %dma_wait3A_63 : memref<1x50x128xi32, #tpu.memory_space<hbm>> -> memref<50x128xi32, #tpu.memory_space<hbm>>
      tpu.wait_dma2 semaphore(%run_scoped3A : memref<!tpu.dma_semaphore, #tpu.memory_space<semaphore_mem>>) src(%dma_wait3A_64 : memref<50x128xi32, #tpu.memory_space<hbm>>) dst(%arg6 : memref<50x128xi32, #tpu.memory_space<vmem>>)
      tpu.yield
    }) : () -> ()
    tpu.enqueue_dma source(%arg4 : memref<320x128xf32, #tpu.memory_space<hbm>>) target(%arg12 : memref<320x128xf32, #tpu.memory_space<vmem>>) target_semaphore(%arg22 : memref<!tpu.dma_semaphore, #tpu.memory_space<semaphore_mem>>)
    %dma_start3A = arith.constant 0 : i32
    %dma_start3A_3 = arith.constant 0 : i32
    %dma_start3A_4 = tpu.memref_slice %arg6[%dma_start3A, %dma_start3A_3] : memref<50x128xi32, #tpu.memory_space<vmem>> -> memref<1x128xi32, #tpu.memory_space<vmem>>
    %dma_start3A_5 = tpu.memref_squeeze %dma_start3A_4 : memref<1x128xi32, #tpu.memory_space<vmem>> -> memref<128xi32, #tpu.memory_space<vmem>>
    %dma_start3A_6 = arith.constant 0 : i32
    %dma_start3A_7 = arith.constant 0 : i32
    %dma_start3A_8 = tpu.memref_slice %arg2[%dma_start3A_6, %dma_start3A_7] : memref<100000x128xf32, #tpu.memory_space<hbm>> -> memref<100000x128xf32, #tpu.memory_space<hbm>>
    tpu.enqueue_indirect_dma source(%dma_start3A_8 : memref<100000x128xf32, #tpu.memory_space<hbm>>) target(%arg7 : memref<128x128xf32, #tpu.memory_space<vmem>>) offsets(%dma_start3A_5 : memref<128xi32, #tpu.memory_space<vmem>>) semaphore(%arg13 : memref<!tpu.dma_semaphore, #tpu.memory_space<semaphore_mem>>)
    %dma_start3A_9 = arith.constant 1 : i32
    %dma_start3A_10 = arith.constant 0 : i32
    %dma_start3A_11 = tpu.memref_slice %arg6[%dma_start3A_9, %dma_start3A_10] : memref<50x128xi32, #tpu.memory_space<vmem>> -> memref<1x128xi32, #tpu.memory_space<vmem>>
    %dma_start3A_12 = tpu.memref_squeeze %dma_start3A_11 : memref<1x128xi32, #tpu.memory_space<vmem>> -> memref<128xi32, #tpu.memory_space<vmem>>
    %dma_start3A_13 = arith.constant 0 : i32
    %dma_start3A_14 = arith.constant 0 : i32
    %dma_start3A_15 = tpu.memref_slice %arg2[%dma_start3A_13, %dma_start3A_14] : memref<100000x128xf32, #tpu.memory_space<hbm>> -> memref<100000x128xf32, #tpu.memory_space<hbm>>
    tpu.enqueue_indirect_dma source(%dma_start3A_15 : memref<100000x128xf32, #tpu.memory_space<hbm>>) target(%arg8 : memref<128x128xf32, #tpu.memory_space<vmem>>) offsets(%dma_start3A_12 : memref<128xi32, #tpu.memory_space<vmem>>) semaphore(%arg14 : memref<!tpu.dma_semaphore, #tpu.memory_space<semaphore_mem>>)
    tpu.wait_dma2 semaphore(%arg22 : memref<!tpu.dma_semaphore, #tpu.memory_space<semaphore_mem>>) src(%arg4 : memref<320x128xf32, #tpu.memory_space<hbm>>) dst(%arg12 : memref<320x128xf32, #tpu.memory_space<vmem>>)
    %scan3A = arith.constant 0 : i32
    %scan3A_16 = arith.constant 10 : i32
    %scan3A_17 = arith.addi %scan3A, %scan3A_16 : i32
    %scan3A_18 = arith.constant 1 : i32
    scf.for %scan3A_49 = %scan3A to %scan3A_17 step %scan3A_18  : i32 {
      %mul3A_50 = arith.constant 5 : i32
      %mul3A_51 = arith.muli %scan3A_49, %mul3A_50 : i32
      %add3A_52 = arith.constant 0 : i32
      %add3A_53 = arith.addi %mul3A_51, %add3A_52 : i32
      %add3A_54 = arith.constant 2 : i32
      %add3A_55 = arith.addi %add3A_53, %add3A_54 : i32
      %lt3A = arith.constant 50 : i32
      %lt3A_56 = arith.cmpi slt, %add3A_55, %lt3A : i32
      %convert_element_type3A = arith.extui %lt3A_56 : i1 to i32
      %cond3A = arith.constant 0 : i32
      %cond3A_57 = arith.cmpi ne, %convert_element_type3A, %cond3A : i32
      scf.if %cond3A_57 {
        %ge3A = arith.constant 3 : i32
        %ge3A_200 = arith.cmpi sge, %add3A_53, %ge3A : i32
        %convert_element_type3A_201 = arith.extui %ge3A_200 : i1 to i32
        %cond3A_202 = arith.constant 0 : i32
        %cond3A_203 = arith.cmpi ne, %convert_element_type3A_201, %cond3A_202 : i32
        scf.if %cond3A_203 {
          %sub3A = arith.constant 3 : i32
          %sub3A_212 = arith.subi %add3A_53, %sub3A : i32
          %mul3A_213 = arith.constant 128 : i32
          %mul3A_214 = arith.muli %sub3A_212, %mul3A_213 : i32
          %add3A_215 = arith.addi %mul3A_2, %mul3A_214 : i32
          %dma_wait3A_216 = arith.constant 0 : i32
          %dma_wait3A_217 = tpu.memref_slice %arg5[%add3A_215, %dma_wait3A_216] : memref<204800x128xf32, #tpu.memory_space<hbm>> -> memref<128x128xf32, #tpu.memory_space<hbm>>
          %dma_wait3A_218 = arith.constant 0 : i32
          %dma_wait3A_219 = tpu.memref_slice %arg5[%add3A_215, %dma_wait3A_218] : memref<204800x128xf32, #tpu.memory_space<hbm>> -> memref<128x128xf32, #tpu.memory_space<hbm>>
          tpu.wait_dma2 semaphore(%arg20 : memref<!tpu.dma_semaphore, #tpu.memory_space<semaphore_mem>>) src(%arg9 : memref<128x128xf32, #tpu.memory_space<vmem>>) dst(%dma_wait3A_219 : memref<128x128xf32, #tpu.memory_space<hbm>>)
        } else {
        }
        %add3A_204 = arith.constant 2 : i32
        %add3A_205 = arith.addi %add3A_53, %add3A_204 : i32
        %dma_start3A_206 = arith.constant 0 : i32
        %dma_start3A_207 = tpu.memref_slice %arg6[%add3A_205, %dma_start3A_206] : memref<50x128xi32, #tpu.memory_space<vmem>> -> memref<1x128xi32, #tpu.memory_space<vmem>>
        %dma_start3A_208 = tpu.memref_squeeze %dma_start3A_207 : memref<1x128xi32, #tpu.memory_space<vmem>> -> memref<128xi32, #tpu.memory_space<vmem>>
        %dma_start3A_209 = arith.constant 0 : i32
        %dma_start3A_210 = arith.constant 0 : i32
        %dma_start3A_211 = tpu.memref_slice %arg2[%dma_start3A_209, %dma_start3A_210] : memref<100000x128xf32, #tpu.memory_space<hbm>> -> memref<100000x128xf32, #tpu.memory_space<hbm>>
        tpu.enqueue_indirect_dma source(%dma_start3A_211 : memref<100000x128xf32, #tpu.memory_space<hbm>>) target(%arg9 : memref<128x128xf32, #tpu.memory_space<vmem>>) offsets(%dma_start3A_208 : memref<128xi32, #tpu.memory_space<vmem>>) semaphore(%arg15 : memref<!tpu.dma_semaphore, #tpu.memory_space<semaphore_mem>>)
      } else {
      }
      %dma_wait3A_58 = arith.constant 0 : i32
      %dma_wait3A_59 = tpu.memref_slice %arg6[%add3A_53, %dma_wait3A_58] : memref<50x128xi32, #tpu.memory_space<vmem>> -> memref<1x128xi32, #tpu.memory_space<vmem>>
      %dma_wait3A_60 = tpu.memref_squeeze %dma_wait3A_59 : memref<1x128xi32, #tpu.memory_space<vmem>> -> memref<128xi32, #tpu.memory_space<vmem>>
      %dma_wait3A_61 = arith.constant 0 : i32
      %dma_wait3A_62 = arith.constant 0 : i32
      %dma_wait3A_63 = tpu.memref_slice %arg2[%dma_wait3A_61, %dma_wait3A_62] : memref<100000x128xf32, #tpu.memory_space<hbm>> -> memref<100000x128xf32, #tpu.memory_space<hbm>>
      tpu.wait_indirect_dma semaphore(%arg13 : memref<!tpu.dma_semaphore, #tpu.memory_space<semaphore_mem>>) src(%dma_wait3A_63 : memref<100000x128xf32, #tpu.memory_space<hbm>>) dst(%arg7 : memref<128x128xf32, #tpu.memory_space<vmem>>)
      %mul3A_64 = arith.constant 128 : i32
      %mul3A_65 = arith.muli %add3A_53, %mul3A_64 : i32
      %rem3A = arith.constant 200 : i32
      %rem3A_66 = arith.remsi %mul3A_65, %rem3A : i32
      %parallel_loop3A = arith.constant 0 : i32
      %parallel_loop3A_67 = arith.constant 128 : i32
      %parallel_loop3A_68 = arith.constant 1 : i32
      scf.for %parallel_loop3A_200 = %parallel_loop3A to %parallel_loop3A_67 step %parallel_loop3A_68  : i32 {
        %parallel_loop3A_201 = arith.addi %rem3A_66, %parallel_loop3A_200 : i32
        %parallel_loop3A_202 = arith.index_cast %parallel_loop3A_200 : i32 to index
        %parallel_loop3A_203 = arith.constant 0 : index
        %parallel_loop3A_204 = tpu.vector_load %arg7[%parallel_loop3A_202, %parallel_loop3A_203] {strides = array<i32>} : memref<128x128xf32, #tpu.memory_space<vmem>>, vector<1x16xf32>,
        %parallel_loop3A_205 = vector.shape_cast %parallel_loop3A_204 : vector<1x16xf32> to vector<16xf32>
        %parallel_loop3A_206 = arith.index_cast %parallel_loop3A_201 : i32 to index
        %parallel_loop3A_207 = arith.constant 0 : index
        %parallel_loop3A_208 = tpu.vector_load %arg12[%parallel_loop3A_206, %parallel_loop3A_207] {strides = array<i32>} : memref<320x128xf32, #tpu.memory_space<vmem>>, vector<1x16xf32>,
        %parallel_loop3A_209 = vector.shape_cast %parallel_loop3A_208 : vector<1x16xf32> to vector<16xf32>
        %parallel_loop3A_210 = arith.addf %parallel_loop3A_205, %parallel_loop3A_209 : vector<16xf32>
        %parallel_loop3A_211 = arith.index_cast %parallel_loop3A_200 : i32 to index
        %parallel_loop3A_212 = arith.constant 0 : index
        %parallel_loop3A_213 = tpu.vector_load %arg7[%parallel_loop3A_211, %parallel_loop3A_212] {strides = array<i32>} : memref<128x128xf32, #tpu.memory_space<vmem>>, vector<1x16xf32>,
        %parallel_loop3A_214 = vector.shape_cast %parallel_loop3A_213 : vector<1x16xf32> to vector<16xf32>
        %parallel_loop3A_215 = vector.shape_cast %parallel_loop3A_210 : vector<16xf32> to vector<1x16xf32>
        tpu.vector_store %arg7[%parallel_loop3A_211, %parallel_loop3A_212], %parallel_loop3A_215 {strides = array<i32>} : memref<128x128xf32, #tpu.memory_space<vmem>>, vector<1x16xf32>,
        %parallel_loop3A_216 = arith.index_cast %parallel_loop3A_200 : i32 to index
        %parallel_loop3A_217 = arith.constant 16 : index
        %parallel_loop3A_218 = tpu.vector_load %arg7[%parallel_loop3A_216, %parallel_loop3A_217] {strides = array<i32>} : memref<128x128xf32, #tpu.memory_space<vmem>>, vector<1x16xf32>,
        %parallel_loop3A_219 = vector.shape_cast %parallel_loop3A_218 : vector<1x16xf32> to vector<16xf32>
        %parallel_loop3A_220 = arith.index_cast %parallel_loop3A_201 : i32 to index
        %parallel_loop3A_221 = arith.constant 16 : index
        %parallel_loop3A_222 = tpu.vector_load %arg12[%parallel_loop3A_220, %parallel_loop3A_221] {strides = array<i32>} : memref<320x128xf32, #tpu.memory_space<vmem>>, vector<1x16xf32>,
        %parallel_loop3A_223 = vector.shape_cast %parallel_loop3A_222 : vector<1x16xf32> to vector<16xf32>
        %parallel_loop3A_224 = arith.addf %parallel_loop3A_219, %parallel_loop3A_223 : vector<16xf32>
        %parallel_loop3A_225 = arith.index_cast %parallel_loop3A_200 : i32 to index
        %parallel_loop3A_226 = arith.constant 16 : index
        %parallel_loop3A_227 = tpu.vector_load %arg7[%parallel_loop3A_225, %parallel_loop3A_226] {strides = array<i32>} : memref<128x128xf32, #tpu.memory_space<vmem>>, vector<1x16xf32>,
        %parallel_loop3A_228 = vector.shape_cast %parallel_loop3A_227 : vector<1x16xf32> to vector<16xf32>
        %parallel_loop3A_229 = vector.shape_cast %parallel_loop3A_224 : vector<16xf32> to vector<1x16xf32>
        tpu.vector_store %arg7[%parallel_loop3A_225, %parallel_loop3A_226], %parallel_loop3A_229 {strides = array<i32>} : memref<128x128xf32, #tpu.memory_space<vmem>>, vector<1x16xf32>,
        %parallel_loop3A_230 = arith.index_cast %parallel_loop3A_200 : i32 to index
        %parallel_loop3A_231 = arith.constant 32 : index
        %parallel_loop3A_232 = tpu.vector_load %arg7[%parallel_loop3A_230, %parallel_loop3A_231] {strides = array<i32>} : memref<128x128xf32, #tpu.memory_space<vmem>>, vector<1x16xf32>,
        %parallel_loop3A_233 = vector.shape_cast %parallel_loop3A_232 : vector<1x16xf32> to vector<16xf32>
        %parallel_loop3A_234 = arith.index_cast %parallel_loop3A_201 : i32 to index
        %parallel_loop3A_235 = arith.constant 32 : index
        %parallel_loop3A_236 = tpu.vector_load %arg12[%parallel_loop3A_234, %parallel_loop3A_235] {strides = array<i32>} : memref<320x128xf32, #tpu.memory_space<vmem>>, vector<1x16xf32>,
        %parallel_loop3A_237 = vector.shape_cast %parallel_loop3A_236 : vector<1x16xf32> to vector<16xf32>
        %parallel_loop3A_238 = arith.addf %parallel_loop3A_233, %parallel_loop3A_237 : vector<16xf32>
        %parallel_loop3A_239 = arith.index_cast %parallel_loop3A_200 : i32 to index
        %parallel_loop3A_240 = arith.constant 32 : index
        %parallel_loop3A_241 = tpu.vector_load %arg7[%parallel_loop3A_239, %parallel_loop3A_240] {strides = array<i32>} : memref<128x128xf32, #tpu.memory_space<vmem>>, vector<1x16xf32>,
        %parallel_loop3A_242 = vector.shape_cast %parallel_loop3A_241 : vector<1x16xf32> to vector<16xf32>
        %parallel_loop3A_243 = vector.shape_cast %parallel_loop3A_238 : vector<16xf32> to vector<1x16xf32>
        tpu.vector_store %arg7[%parallel_loop3A_239, %parallel_loop3A_240], %parallel_loop3A_243 {strides = array<i32>} : memref<128x128xf32, #tpu.memory_space<vmem>>, vector<1x16xf32>,
        %parallel_loop3A_244 = arith.index_cast %parallel_loop3A_200 : i32 to index
        %parallel_loop3A_245 = arith.constant 48 : index
        %parallel_loop3A_246 = tpu.vector_load %arg7[%parallel_loop3A_244, %parallel_loop3A_245] {strides = array<i32>} : memref<128x128xf32, #tpu.memory_space<vmem>>, vector<1x16xf32>,
        %parallel_loop3A_247 = vector.shape_cast %parallel_loop3A_246 : vector<1x16xf32> to vector<16xf32>
        %parallel_loop3A_248 = arith.index_cast %parallel_loop3A_201 : i32 to index
        %parallel_loop3A_249 = arith.constant 48 : index
        %parallel_loop3A_250 = tpu.vector_load %arg12[%parallel_loop3A_248, %parallel_loop3A_249] {strides = array<i32>} : memref<320x128xf32, #tpu.memory_space<vmem>>, vector<1x16xf32>,
        %parallel_loop3A_251 = vector.shape_cast %parallel_loop3A_250 : vector<1x16xf32> to vector<16xf32>
        %parallel_loop3A_252 = arith.addf %parallel_loop3A_247, %parallel_loop3A_251 : vector<16xf32>
        %parallel_loop3A_253 = arith.index_cast %parallel_loop3A_200 : i32 to index
        %parallel_loop3A_254 = arith.constant 48 : index
        %parallel_loop3A_255 = tpu.vector_load %arg7[%parallel_loop3A_253, %parallel_loop3A_254] {strides = array<i32>} : memref<128x128xf32, #tpu.memory_space<vmem>>, vector<1x16xf32>,
        %parallel_loop3A_256 = vector.shape_cast %parallel_loop3A_255 : vector<1x16xf32> to vector<16xf32>
        %parallel_loop3A_257 = vector.shape_cast %parallel_loop3A_252 : vector<16xf32> to vector<1x16xf32>
        tpu.vector_store %arg7[%parallel_loop3A_253, %parallel_loop3A_254], %parallel_loop3A_257 {strides = array<i32>} : memref<128x128xf32, #tpu.memory_space<vmem>>, vector<1x16xf32>,
        %parallel_loop3A_258 = arith.index_cast %parallel_loop3A_200 : i32 to index
        %parallel_loop3A_259 = arith.constant 64 : index
        %parallel_loop3A_260 = tpu.vector_load %arg7[%parallel_loop3A_258, %parallel_loop3A_259] {strides = array<i32>} : memref<128x128xf32, #tpu.memory_space<vmem>>, vector<1x16xf32>,
        %parallel_loop3A_261 = vector.shape_cast %parallel_loop3A_260 : vector<1x16xf32> to vector<16xf32>
        %parallel_loop3A_262 = arith.index_cast %parallel_loop3A_201 : i32 to index
        %parallel_loop3A_263 = arith.constant 64 : index
        %parallel_loop3A_264 = tpu.vector_load %arg12[%parallel_loop3A_262, %parallel_loop3A_263] {strides = array<i32>} : memref<320x128xf32, #tpu.memory_space<vmem>>, vector<1x16xf32>,
        %parallel_loop3A_265 = vector.shape_cast %parallel_loop3A_264 : vector<1x16xf32> to vector<16xf32>
        %parallel_loop3A_266 = arith.addf %parallel_loop3A_261, %parallel_loop3A_265 : vector<16xf32>
        %parallel_loop3A_267 = arith.index_cast %parallel_loop3A_200 : i32 to index
        %parallel_loop3A_268 = arith.constant 64 : index
        %parallel_loop3A_269 = tpu.vector_load %arg7[%parallel_loop3A_267, %parallel_loop3A_268] {strides = array<i32>} : memref<128x128xf32, #tpu.memory_space<vmem>>, vector<1x16xf32>,
        %parallel_loop3A_270 = vector.shape_cast %parallel_loop3A_269 : vector<1x16xf32> to vector<16xf32>
        %parallel_loop3A_271 = vector.shape_cast %parallel_loop3A_266 : vector<16xf32> to vector<1x16xf32>
        tpu.vector_store %arg7[%parallel_loop3A_267, %parallel_loop3A_268], %parallel_loop3A_271 {strides = array<i32>} : memref<128x128xf32, #tpu.memory_space<vmem>>, vector<1x16xf32>,
        %parallel_loop3A_272 = arith.index_cast %parallel_loop3A_200 : i32 to index
        %parallel_loop3A_273 = arith.constant 80 : index
        %parallel_loop3A_274 = tpu.vector_load %arg7[%parallel_loop3A_272, %parallel_loop3A_273] {strides = array<i32>} : memref<128x128xf32, #tpu.memory_space<vmem>>, vector<1x16xf32>,
        %parallel_loop3A_275 = vector.shape_cast %parallel_loop3A_274 : vector<1x16xf32> to vector<16xf32>
        %parallel_loop3A_276 = arith.index_cast %parallel_loop3A_201 : i32 to index
        %parallel_loop3A_277 = arith.constant 80 : index
        %parallel_loop3A_278 = tpu.vector_load %arg12[%parallel_loop3A_276, %parallel_loop3A_277] {strides = array<i32>} : memref<320x128xf32, #tpu.memory_space<vmem>>, vector<1x16xf32>,
        %parallel_loop3A_279 = vector.shape_cast %parallel_loop3A_278 : vector<1x16xf32> to vector<16xf32>
        %parallel_loop3A_280 = arith.addf %parallel_loop3A_275, %parallel_loop3A_279 : vector<16xf32>
        %parallel_loop3A_281 = arith.index_cast %parallel_loop3A_200 : i32 to index
        %parallel_loop3A_282 = arith.constant 80 : index
        %parallel_loop3A_283 = tpu.vector_load %arg7[%parallel_loop3A_281, %parallel_loop3A_282] {strides = array<i32>} : memref<128x128xf32, #tpu.memory_space<vmem>>, vector<1x16xf32>,
        %parallel_loop3A_284 = vector.shape_cast %parallel_loop3A_283 : vector<1x16xf32> to vector<16xf32>
        %parallel_loop3A_285 = vector.shape_cast %parallel_loop3A_280 : vector<16xf32> to vector<1x16xf32>
        tpu.vector_store %arg7[%parallel_loop3A_281, %parallel_loop3A_282], %parallel_loop3A_285 {strides = array<i32>} : memref<128x128xf32, #tpu.memory_space<vmem>>, vector<1x16xf32>,
        %parallel_loop3A_286 = arith.index_cast %parallel_loop3A_200 : i32 to index
        %parallel_loop3A_287 = arith.constant 96 : index
        %parallel_loop3A_288 = tpu.vector_load %arg7[%parallel_loop3A_286, %parallel_loop3A_287] {strides = array<i32>} : memref<128x128xf32, #tpu.memory_space<vmem>>, vector<1x16xf32>,
        %parallel_loop3A_289 = vector.shape_cast %parallel_loop3A_288 : vector<1x16xf32> to vector<16xf32>
        %parallel_loop3A_290 = arith.index_cast %parallel_loop3A_201 : i32 to index
        %parallel_loop3A_291 = arith.constant 96 : index
        %parallel_loop3A_292 = tpu.vector_load %arg12[%parallel_loop3A_290, %parallel_loop3A_291] {strides = array<i32>} : memref<320x128xf32, #tpu.memory_space<vmem>>, vector<1x16xf32>,
        %parallel_loop3A_293 = vector.shape_cast %parallel_loop3A_292 : vector<1x16xf32> to vector<16xf32>
        %parallel_loop3A_294 = arith.addf %parallel_loop3A_289, %parallel_loop3A_293 : vector<16xf32>
        %parallel_loop3A_295 = arith.index_cast %parallel_loop3A_200 : i32 to index
        %parallel_loop3A_296 = arith.constant 96 : index
        %parallel_loop3A_297 = tpu.vector_load %arg7[%parallel_loop3A_295, %parallel_loop3A_296] {strides = array<i32>} : memref<128x128xf32, #tpu.memory_space<vmem>>, vector<1x16xf32>,
        %parallel_loop3A_298 = vector.shape_cast %parallel_loop3A_297 : vector<1x16xf32> to vector<16xf32>
        %parallel_loop3A_299 = vector.shape_cast %parallel_loop3A_294 : vector<16xf32> to vector<1x16xf32>
        tpu.vector_store %arg7[%parallel_loop3A_295, %parallel_loop3A_296], %parallel_loop3A_299 {strides = array<i32>} : memref<128x128xf32, #tpu.memory_space<vmem>>, vector<1x16xf32>,
        %parallel_loop3A_300 = arith.index_cast %parallel_loop3A_200 : i32 to index
        %parallel_loop3A_301 = arith.constant 112 : index
        %parallel_loop3A_302 = tpu.vector_load %arg7[%parallel_loop3A_300, %parallel_loop3A_301] {strides = array<i32>} : memref<128x128xf32, #tpu.memory_space<vmem>>, vector<1x16xf32>,
        %parallel_loop3A_303 = vector.shape_cast %parallel_loop3A_302 : vector<1x16xf32> to vector<16xf32>
        %parallel_loop3A_304 = arith.index_cast %parallel_loop3A_201 : i32 to index
        %parallel_loop3A_305 = arith.constant 112 : index
        %parallel_loop3A_306 = tpu.vector_load %arg12[%parallel_loop3A_304, %parallel_loop3A_305] {strides = array<i32>} : memref<320x128xf32, #tpu.memory_space<vmem>>, vector<1x16xf32>,
        %parallel_loop3A_307 = vector.shape_cast %parallel_loop3A_306 : vector<1x16xf32> to vector<16xf32>
        %parallel_loop3A_308 = arith.addf %parallel_loop3A_303, %parallel_loop3A_307 : vector<16xf32>
        %parallel_loop3A_309 = arith.index_cast %parallel_loop3A_200 : i32 to index
        %parallel_loop3A_310 = arith.constant 112 : index
        %parallel_loop3A_311 = tpu.vector_load %arg7[%parallel_loop3A_309, %parallel_loop3A_310] {strides = array<i32>} : memref<128x128xf32, #tpu.memory_space<vmem>>, vector<1x16xf32>,
        %parallel_loop3A_312 = vector.shape_cast %parallel_loop3A_311 : vector<1x16xf32> to vector<16xf32>
        %parallel_loop3A_313 = vector.shape_cast %parallel_loop3A_308 : vector<16xf32> to vector<1x16xf32>
        tpu.vector_store %arg7[%parallel_loop3A_309, %parallel_loop3A_310], %parallel_loop3A_313 {strides = array<i32>} : memref<128x128xf32, #tpu.memory_space<vmem>>, vector<1x16xf32>,
      } {sc.loop_unroll_factor = 4 : i64, sc.parallel_access}
      %mul3A_69 = arith.constant 128 : i32
      %mul3A_70 = arith.muli %add3A_53, %mul3A_69 : i32
      %add3A_71 = arith.addi %mul3A_2, %mul3A_70 : i32
      %dma_start3A_72 = arith.constant 0 : i32
      %dma_start3A_73 = tpu.memref_slice %arg5[%add3A_71, %dma_start3A_72] : memref<204800x128xf32, #tpu.memory_space<hbm>> -> memref<128x128xf32, #tpu.memory_space<hbm>>
      %dma_start3A_74 = arith.constant 0 : i32
      %dma_start3A_75 = tpu.memref_slice %arg5[%add3A_71, %dma_start3A_74] : memref<204800x128xf32, #tpu.memory_space<hbm>> -> memref<128x128xf32, #tpu.memory_space<hbm>>
      tpu.enqueue_dma source(%arg7 : memref<128x128xf32, #tpu.memory_space<vmem>>) target(%dma_start3A_75 : memref<128x128xf32, #tpu.memory_space<hbm>>) target_semaphore(%arg18 : memref<!tpu.dma_semaphore, #tpu.memory_space<semaphore_mem>>)
      %mul3A_76 = arith.constant 5 : i32
      %mul3A_77 = arith.muli %scan3A_49, %mul3A_76 : i32
      %add3A_78 = arith.constant 1 : i32
      %add3A_79 = arith.addi %mul3A_77, %add3A_78 : i32
      %add3A_80 = arith.constant 2 : i32
      %add3A_81 = arith.addi %add3A_79, %add3A_80 : i32
      %lt3A_82 = arith.constant 50 : i32
      %lt3A_83 = arith.cmpi slt, %add3A_81, %lt3A_82 : i32
      %convert_element_type3A_84 = arith.extui %lt3A_83 : i1 to i32
      %cond3A_85 = arith.constant 0 : i32
      %cond3A_86 = arith.cmpi ne, %convert_element_type3A_84, %cond3A_85 : i32
      scf.if %cond3A_86 {
        %ge3A = arith.constant 3 : i32
        %ge3A_200 = arith.cmpi sge, %add3A_79, %ge3A : i32
        %convert_element_type3A_201 = arith.extui %ge3A_200 : i1 to i32
        %cond3A_202 = arith.constant 0 : i32
        %cond3A_203 = arith.cmpi ne, %convert_element_type3A_201, %cond3A_202 : i32
        scf.if %cond3A_203 {
          %sub3A = arith.constant 3 : i32
          %sub3A_212 = arith.subi %add3A_79, %sub3A : i32
          %mul3A_213 = arith.constant 128 : i32
          %mul3A_214 = arith.muli %sub3A_212, %mul3A_213 : i32
          %add3A_215 = arith.addi %mul3A_2, %mul3A_214 : i32
          %dma_wait3A_216 = arith.constant 0 : i32
          %dma_wait3A_217 = tpu.memref_slice %arg5[%add3A_215, %dma_wait3A_216] : memref<204800x128xf32, #tpu.memory_space<hbm>> -> memref<128x128xf32, #tpu.memory_space<hbm>>
          %dma_wait3A_218 = arith.constant 0 : i32
          %dma_wait3A_219 = tpu.memref_slice %arg5[%add3A_215, %dma_wait3A_218] : memref<204800x128xf32, #tpu.memory_space<hbm>> -> memref<128x128xf32, #tpu.memory_space<hbm>>
          tpu.wait_dma2 semaphore(%arg21 : memref<!tpu.dma_semaphore, #tpu.memory_space<semaphore_mem>>) src(%arg10 : memref<128x128xf32, #tpu.memory_space<vmem>>) dst(%dma_wait3A_219 : memref<128x128xf32, #tpu.memory_space<hbm>>)
        } else {
        }
        %add3A_204 = arith.constant 2 : i32
        %add3A_205 = arith.addi %add3A_79, %add3A_204 : i32
        %dma_start3A_206 = arith.constant 0 : i32
        %dma_start3A_207 = tpu.memref_slice %arg6[%add3A_205, %dma_start3A_206] : memref<50x128xi32, #tpu.memory_space<vmem>> -> memref<1x128xi32, #tpu.memory_space<vmem>>
        %dma_start3A_208 = tpu.memref_squeeze %dma_start3A_207 : memref<1x128xi32, #tpu.memory_space<vmem>> -> memref<128xi32, #tpu.memory_space<vmem>>
        %dma_start3A_209 = arith.constant 0 : i32
        %dma_start3A_210 = arith.constant 0 : i32
        %dma_start3A_211 = tpu.memref_slice %arg2[%dma_start3A_209, %dma_start3A_210] : memref<100000x128xf32, #tpu.memory_space<hbm>> -> memref<100000x128xf32, #tpu.memory_space<hbm>>
        tpu.enqueue_indirect_dma source(%dma_start3A_211 : memref<100000x128xf32, #tpu.memory_space<hbm>>) target(%arg10 : memref<128x128xf32, #tpu.memory_space<vmem>>) offsets(%dma_start3A_208 : memref<128xi32, #tpu.memory_space<vmem>>) semaphore(%arg16 : memref<!tpu.dma_semaphore, #tpu.memory_space<semaphore_mem>>)
      } else {
      }
      %dma_wait3A_87 = arith.constant 0 : i32
      %dma_wait3A_88 = tpu.memref_slice %arg6[%add3A_79, %dma_wait3A_87] : memref<50x128xi32, #tpu.memory_space<vmem>> -> memref<1x128xi32, #tpu.memory_space<vmem>>
      %dma_wait3A_89 = tpu.memref_squeeze %dma_wait3A_88 : memref<1x128xi32, #tpu.memory_space<vmem>> -> memref<128xi32, #tpu.memory_space<vmem>>
      %dma_wait3A_90 = arith.constant 0 : i32
      %dma_wait3A_91 = arith.constant 0 : i32
      %dma_wait3A_92 = tpu.memref_slice %arg2[%dma_wait3A_90, %dma_wait3A_91] : memref<100000x128xf32, #tpu.memory_space<hbm>> -> memref<100000x128xf32, #tpu.memory_space<hbm>>
      tpu.wait_indirect_dma semaphore(%arg14 : memref<!tpu.dma_semaphore, #tpu.memory_space<semaphore_mem>>) src(%dma_wait3A_92 : memref<100000x128xf32, #tpu.memory_space<hbm>>) dst(%arg8 : memref<128x128xf32, #tpu.memory_space<vmem>>)
      %mul3A_93 = arith.constant 128 : i32
      %mul3A_94 = arith.muli %add3A_79, %mul3A_93 : i32
      %rem3A_95 = arith.constant 200 : i32
      %rem3A_96 = arith.remsi %mul3A_94, %rem3A_95 : i32
      %parallel_loop3A_97 = arith.constant 0 : i32
      %parallel_loop3A_98 = arith.constant 128 : i32
      %parallel_loop3A_99 = arith.constant 1 : i32
      scf.for %parallel_loop3A_200 = %parallel_loop3A_97 to %parallel_loop3A_98 step %parallel_loop3A_99  : i32 {
        %parallel_loop3A_201 = arith.addi %rem3A_96, %parallel_loop3A_200 : i32
        %parallel_loop3A_202 = arith.index_cast %parallel_loop3A_200 : i32 to index
        %parallel_loop3A_203 = arith.constant 0 : index
        %parallel_loop3A_204 = tpu.vector_load %arg8[%parallel_loop3A_202, %parallel_loop3A_203] {strides = array<i32>} : memref<128x128xf32, #tpu.memory_space<vmem>>, vector<1x16xf32>,
        %parallel_loop3A_205 = vector.shape_cast %parallel_loop3A_204 : vector<1x16xf32> to vector<16xf32>
        %parallel_loop3A_206 = arith.index_cast %parallel_loop3A_201 : i32 to index
        %parallel_loop3A_207 = arith.constant 0 : index
        %parallel_loop3A_208 = tpu.vector_load %arg12[%parallel_loop3A_206, %parallel_loop3A_207] {strides = array<i32>} : memref<320x128xf32, #tpu.memory_space<vmem>>, vector<1x16xf32>,
        %parallel_loop3A_209 = vector.shape_cast %parallel_loop3A_208 : vector<1x16xf32> to vector<16xf32>
        %parallel_loop3A_210 = arith.addf %parallel_loop3A_205, %parallel_loop3A_209 : vector<16xf32>
        %parallel_loop3A_211 = arith.index_cast %parallel_loop3A_200 : i32 to index
        %parallel_loop3A_212 = arith.constant 0 : index
        %parallel_loop3A_213 = tpu.vector_load %arg8[%parallel_loop3A_211, %parallel_loop3A_212] {strides = array<i32>} : memref<128x128xf32, #tpu.memory_space<vmem>>, vector<1x16xf32>,
        %parallel_loop3A_214 = vector.shape_cast %parallel_loop3A_213 : vector<1x16xf32> to vector<16xf32>
        %parallel_loop3A_215 = vector.shape_cast %parallel_loop3A_210 : vector<16xf32> to vector<1x16xf32>
        tpu.vector_store %arg8[%parallel_loop3A_211, %parallel_loop3A_212], %parallel_loop3A_215 {strides = array<i32>} : memref<128x128xf32, #tpu.memory_space<vmem>>, vector<1x16xf32>,
        %parallel_loop3A_216 = arith.index_cast %parallel_loop3A_200 : i32 to index
        %parallel_loop3A_217 = arith.constant 16 : index
        %parallel_loop3A_218 = tpu.vector_load %arg8[%parallel_loop3A_216, %parallel_loop3A_217] {strides = array<i32>} : memref<128x128xf32, #tpu.memory_space<vmem>>, vector<1x16xf32>,
        %parallel_loop3A_219 = vector.shape_cast %parallel_loop3A_218 : vector<1x16xf32> to vector<16xf32>
        %parallel_loop3A_220 = arith.index_cast %parallel_loop3A_201 : i32 to index
        %parallel_loop3A_221 = arith.constant 16 : index
        %parallel_loop3A_222 = tpu.vector_load %arg12[%parallel_loop3A_220, %parallel_loop3A_221] {strides = array<i32>} : memref<320x128xf32, #tpu.memory_space<vmem>>, vector<1x16xf32>,
        %parallel_loop3A_223 = vector.shape_cast %parallel_loop3A_222 : vector<1x16xf32> to vector<16xf32>
        %parallel_loop3A_224 = arith.addf %parallel_loop3A_219, %parallel_loop3A_223 : vector<16xf32>
        %parallel_loop3A_225 = arith.index_cast %parallel_loop3A_200 : i32 to index
        %parallel_loop3A_226 = arith.constant 16 : index
        %parallel_loop3A_227 = tpu.vector_load %arg8[%parallel_loop3A_225, %parallel_loop3A_226] {strides = array<i32>} : memref<128x128xf32, #tpu.memory_space<vmem>>, vector<1x16xf32>,
        %parallel_loop3A_228 = vector.shape_cast %parallel_loop3A_227 : vector<1x16xf32> to vector<16xf32>
        %parallel_loop3A_229 = vector.shape_cast %parallel_loop3A_224 : vector<16xf32> to vector<1x16xf32>
        tpu.vector_store %arg8[%parallel_loop3A_225, %parallel_loop3A_226], %parallel_loop3A_229 {strides = array<i32>} : memref<128x128xf32, #tpu.memory_space<vmem>>, vector<1x16xf32>,
        %parallel_loop3A_230 = arith.index_cast %parallel_loop3A_200 : i32 to index
        %parallel_loop3A_231 = arith.constant 32 : index
        %parallel_loop3A_232 = tpu.vector_load %arg8[%parallel_loop3A_230, %parallel_loop3A_231] {strides = array<i32>} : memref<128x128xf32, #tpu.memory_space<vmem>>, vector<1x16xf32>,
        %parallel_loop3A_233 = vector.shape_cast %parallel_loop3A_232 : vector<1x16xf32> to vector<16xf32>
        %parallel_loop3A_234 = arith.index_cast %parallel_loop3A_201 : i32 to index
        %parallel_loop3A_235 = arith.constant 32 : index
        %parallel_loop3A_236 = tpu.vector_load %arg12[%parallel_loop3A_234, %parallel_loop3A_235] {strides = array<i32>} : memref<320x128xf32, #tpu.memory_space<vmem>>, vector<1x16xf32>,
        %parallel_loop3A_237 = vector.shape_cast %parallel_loop3A_236 : vector<1x16xf32> to vector<16xf32>
        %parallel_loop3A_238 = arith.addf %parallel_loop3A_233, %parallel_loop3A_237 : vector<16xf32>
        %parallel_loop3A_239 = arith.index_cast %parallel_loop3A_200 : i32 to index
        %parallel_loop3A_240 = arith.constant 32 : index
        %parallel_loop3A_241 = tpu.vector_load %arg8[%parallel_loop3A_239, %parallel_loop3A_240] {strides = array<i32>} : memref<128x128xf32, #tpu.memory_space<vmem>>, vector<1x16xf32>,
        %parallel_loop3A_242 = vector.shape_cast %parallel_loop3A_241 : vector<1x16xf32> to vector<16xf32>
        %parallel_loop3A_243 = vector.shape_cast %parallel_loop3A_238 : vector<16xf32> to vector<1x16xf32>
        tpu.vector_store %arg8[%parallel_loop3A_239, %parallel_loop3A_240], %parallel_loop3A_243 {strides = array<i32>} : memref<128x128xf32, #tpu.memory_space<vmem>>, vector<1x16xf32>,
        %parallel_loop3A_244 = arith.index_cast %parallel_loop3A_200 : i32 to index
        %parallel_loop3A_245 = arith.constant 48 : index
        %parallel_loop3A_246 = tpu.vector_load %arg8[%parallel_loop3A_244, %parallel_loop3A_245] {strides = array<i32>} : memref<128x128xf32, #tpu.memory_space<vmem>>, vector<1x16xf32>,
        %parallel_loop3A_247 = vector.shape_cast %parallel_loop3A_246 : vector<1x16xf32> to vector<16xf32>
        %parallel_loop3A_248 = arith.index_cast %parallel_loop3A_201 : i32 to index
        %parallel_loop3A_249 = arith.constant 48 : index
        %parallel_loop3A_250 = tpu.vector_load %arg12[%parallel_loop3A_248, %parallel_loop3A_249] {strides = array<i32>} : memref<320x128xf32, #tpu.memory_space<vmem>>, vector<1x16xf32>,
        %parallel_loop3A_251 = vector.shape_cast %parallel_loop3A_250 : vector<1x16xf32> to vector<16xf32>
        %parallel_loop3A_252 = arith.addf %parallel_loop3A_247, %parallel_loop3A_251 : vector<16xf32>
        %parallel_loop3A_253 = arith.index_cast %parallel_loop3A_200 : i32 to index
        %parallel_loop3A_254 = arith.constant 48 : index
        %parallel_loop3A_255 = tpu.vector_load %arg8[%parallel_loop3A_253, %parallel_loop3A_254] {strides = array<i32>} : memref<128x128xf32, #tpu.memory_space<vmem>>, vector<1x16xf32>,
        %parallel_loop3A_256 = vector.shape_cast %parallel_loop3A_255 : vector<1x16xf32> to vector<16xf32>
        %parallel_loop3A_257 = vector.shape_cast %parallel_loop3A_252 : vector<16xf32> to vector<1x16xf32>
        tpu.vector_store %arg8[%parallel_loop3A_253, %parallel_loop3A_254], %parallel_loop3A_257 {strides = array<i32>} : memref<128x128xf32, #tpu.memory_space<vmem>>, vector<1x16xf32>,
        %parallel_loop3A_258 = arith.index_cast %parallel_loop3A_200 : i32 to index
        %parallel_loop3A_259 = arith.constant 64 : index
        %parallel_loop3A_260 = tpu.vector_load %arg8[%parallel_loop3A_258, %parallel_loop3A_259] {strides = array<i32>} : memref<128x128xf32, #tpu.memory_space<vmem>>, vector<1x16xf32>,
        %parallel_loop3A_261 = vector.shape_cast %parallel_loop3A_260 : vector<1x16xf32> to vector<16xf32>
        %parallel_loop3A_262 = arith.index_cast %parallel_loop3A_201 : i32 to index
        %parallel_loop3A_263 = arith.constant 64 : index
        %parallel_loop3A_264 = tpu.vector_load %arg12[%parallel_loop3A_262, %parallel_loop3A_263] {strides = array<i32>} : memref<320x128xf32, #tpu.memory_space<vmem>>, vector<1x16xf32>,
        %parallel_loop3A_265 = vector.shape_cast %parallel_loop3A_264 : vector<1x16xf32> to vector<16xf32>
        %parallel_loop3A_266 = arith.addf %parallel_loop3A_261, %parallel_loop3A_265 : vector<16xf32>
        %parallel_loop3A_267 = arith.index_cast %parallel_loop3A_200 : i32 to index
        %parallel_loop3A_268 = arith.constant 64 : index
        %parallel_loop3A_269 = tpu.vector_load %arg8[%parallel_loop3A_267, %parallel_loop3A_268] {strides = array<i32>} : memref<128x128xf32, #tpu.memory_space<vmem>>, vector<1x16xf32>,
        %parallel_loop3A_270 = vector.shape_cast %parallel_loop3A_269 : vector<1x16xf32> to vector<16xf32>
        %parallel_loop3A_271 = vector.shape_cast %parallel_loop3A_266 : vector<16xf32> to vector<1x16xf32>
        tpu.vector_store %arg8[%parallel_loop3A_267, %parallel_loop3A_268], %parallel_loop3A_271 {strides = array<i32>} : memref<128x128xf32, #tpu.memory_space<vmem>>, vector<1x16xf32>,
        %parallel_loop3A_272 = arith.index_cast %parallel_loop3A_200 : i32 to index
        %parallel_loop3A_273 = arith.constant 80 : index
        %parallel_loop3A_274 = tpu.vector_load %arg8[%parallel_loop3A_272, %parallel_loop3A_273] {strides = array<i32>} : memref<128x128xf32, #tpu.memory_space<vmem>>, vector<1x16xf32>,
        %parallel_loop3A_275 = vector.shape_cast %parallel_loop3A_274 : vector<1x16xf32> to vector<16xf32>
        %parallel_loop3A_276 = arith.index_cast %parallel_loop3A_201 : i32 to index
        %parallel_loop3A_277 = arith.constant 80 : index
        %parallel_loop3A_278 = tpu.vector_load %arg12[%parallel_loop3A_276, %parallel_loop3A_277] {strides = array<i32>} : memref<320x128xf32, #tpu.memory_space<vmem>>, vector<1x16xf32>,
        %parallel_loop3A_279 = vector.shape_cast %parallel_loop3A_278 : vector<1x16xf32> to vector<16xf32>
        %parallel_loop3A_280 = arith.addf %parallel_loop3A_275, %parallel_loop3A_279 : vector<16xf32>
        %parallel_loop3A_281 = arith.index_cast %parallel_loop3A_200 : i32 to index
        %parallel_loop3A_282 = arith.constant 80 : index
        %parallel_loop3A_283 = tpu.vector_load %arg8[%parallel_loop3A_281, %parallel_loop3A_282] {strides = array<i32>} : memref<128x128xf32, #tpu.memory_space<vmem>>, vector<1x16xf32>,
        %parallel_loop3A_284 = vector.shape_cast %parallel_loop3A_283 : vector<1x16xf32> to vector<16xf32>
        %parallel_loop3A_285 = vector.shape_cast %parallel_loop3A_280 : vector<16xf32> to vector<1x16xf32>
        tpu.vector_store %arg8[%parallel_loop3A_281, %parallel_loop3A_282], %parallel_loop3A_285 {strides = array<i32>} : memref<128x128xf32, #tpu.memory_space<vmem>>, vector<1x16xf32>,
        %parallel_loop3A_286 = arith.index_cast %parallel_loop3A_200 : i32 to index
        %parallel_loop3A_287 = arith.constant 96 : index
        %parallel_loop3A_288 = tpu.vector_load %arg8[%parallel_loop3A_286, %parallel_loop3A_287] {strides = array<i32>} : memref<128x128xf32, #tpu.memory_space<vmem>>, vector<1x16xf32>,
        %parallel_loop3A_289 = vector.shape_cast %parallel_loop3A_288 : vector<1x16xf32> to vector<16xf32>
        %parallel_loop3A_290 = arith.index_cast %parallel_loop3A_201 : i32 to index
        %parallel_loop3A_291 = arith.constant 96 : index
        %parallel_loop3A_292 = tpu.vector_load %arg12[%parallel_loop3A_290, %parallel_loop3A_291] {strides = array<i32>} : memref<320x128xf32, #tpu.memory_space<vmem>>, vector<1x16xf32>,
        %parallel_loop3A_293 = vector.shape_cast %parallel_loop3A_292 : vector<1x16xf32> to vector<16xf32>
        %parallel_loop3A_294 = arith.addf %parallel_loop3A_289, %parallel_loop3A_293 : vector<16xf32>
        %parallel_loop3A_295 = arith.index_cast %parallel_loop3A_200 : i32 to index
        %parallel_loop3A_296 = arith.constant 96 : index
        %parallel_loop3A_297 = tpu.vector_load %arg8[%parallel_loop3A_295, %parallel_loop3A_296] {strides = array<i32>} : memref<128x128xf32, #tpu.memory_space<vmem>>, vector<1x16xf32>,
        %parallel_loop3A_298 = vector.shape_cast %parallel_loop3A_297 : vector<1x16xf32> to vector<16xf32>
        %parallel_loop3A_299 = vector.shape_cast %parallel_loop3A_294 : vector<16xf32> to vector<1x16xf32>
        tpu.vector_store %arg8[%parallel_loop3A_295, %parallel_loop3A_296], %parallel_loop3A_299 {strides = array<i32>} : memref<128x128xf32, #tpu.memory_space<vmem>>, vector<1x16xf32>,
        %parallel_loop3A_300 = arith.index_cast %parallel_loop3A_200 : i32 to index
        %parallel_loop3A_301 = arith.constant 112 : index
        %parallel_loop3A_302 = tpu.vector_load %arg8[%parallel_loop3A_300, %parallel_loop3A_301] {strides = array<i32>} : memref<128x128xf32, #tpu.memory_space<vmem>>, vector<1x16xf32>,
        %parallel_loop3A_303 = vector.shape_cast %parallel_loop3A_302 : vector<1x16xf32> to vector<16xf32>
        %parallel_loop3A_304 = arith.index_cast %parallel_loop3A_201 : i32 to index
        %parallel_loop3A_305 = arith.constant 112 : index
        %parallel_loop3A_306 = tpu.vector_load %arg12[%parallel_loop3A_304, %parallel_loop3A_305] {strides = array<i32>} : memref<320x128xf32, #tpu.memory_space<vmem>>, vector<1x16xf32>,
        %parallel_loop3A_307 = vector.shape_cast %parallel_loop3A_306 : vector<1x16xf32> to vector<16xf32>
        %parallel_loop3A_308 = arith.addf %parallel_loop3A_303, %parallel_loop3A_307 : vector<16xf32>
        %parallel_loop3A_309 = arith.index_cast %parallel_loop3A_200 : i32 to index
        %parallel_loop3A_310 = arith.constant 112 : index
        %parallel_loop3A_311 = tpu.vector_load %arg8[%parallel_loop3A_309, %parallel_loop3A_310] {strides = array<i32>} : memref<128x128xf32, #tpu.memory_space<vmem>>, vector<1x16xf32>,
        %parallel_loop3A_312 = vector.shape_cast %parallel_loop3A_311 : vector<1x16xf32> to vector<16xf32>
        %parallel_loop3A_313 = vector.shape_cast %parallel_loop3A_308 : vector<16xf32> to vector<1x16xf32>
        tpu.vector_store %arg8[%parallel_loop3A_309, %parallel_loop3A_310], %parallel_loop3A_313 {strides = array<i32>} : memref<128x128xf32, #tpu.memory_space<vmem>>, vector<1x16xf32>,
      } {sc.loop_unroll_factor = 4 : i64, sc.parallel_access}
      %mul3A_100 = arith.constant 128 : i32
      %mul3A_101 = arith.muli %add3A_79, %mul3A_100 : i32
      %add3A_102 = arith.addi %mul3A_2, %mul3A_101 : i32
      %dma_start3A_103 = arith.constant 0 : i32
      %dma_start3A_104 = tpu.memref_slice %arg5[%add3A_102, %dma_start3A_103] : memref<204800x128xf32, #tpu.memory_space<hbm>> -> memref<128x128xf32, #tpu.memory_space<hbm>>
      %dma_start3A_105 = arith.constant 0 : i32
      %dma_start3A_106 = tpu.memref_slice %arg5[%add3A_102, %dma_start3A_105] : memref<204800x128xf32, #tpu.memory_space<hbm>> -> memref<128x128xf32, #tpu.memory_space<hbm>>
      tpu.enqueue_dma source(%arg8 : memref<128x128xf32, #tpu.memory_space<vmem>>) target(%dma_start3A_106 : memref<128x128xf32, #tpu.memory_space<hbm>>) target_semaphore(%arg19 : memref<!tpu.dma_semaphore, #tpu.memory_space<semaphore_mem>>)
      %mul3A_107 = arith.constant 5 : i32
      %mul3A_108 = arith.muli %scan3A_49, %mul3A_107 : i32
      %add3A_109 = arith.constant 2 : i32
      %add3A_110 = arith.addi %mul3A_108, %add3A_109 : i32
      %add3A_111 = arith.constant 2 : i32
      %add3A_112 = arith.addi %add3A_110, %add3A_111 : i32
      %lt3A_113 = arith.constant 50 : i32
      %lt3A_114 = arith.cmpi slt, %add3A_112, %lt3A_113 : i32
      %convert_element_type3A_115 = arith.extui %lt3A_114 : i1 to i32
      %cond3A_116 = arith.constant 0 : i32
      %cond3A_117 = arith.cmpi ne, %convert_element_type3A_115, %cond3A_116 : i32
      scf.if %cond3A_117 {
        %ge3A = arith.constant 3 : i32
        %ge3A_200 = arith.cmpi sge, %add3A_110, %ge3A : i32
        %convert_element_type3A_201 = arith.extui %ge3A_200 : i1 to i32
        %cond3A_202 = arith.constant 0 : i32
        %cond3A_203 = arith.cmpi ne, %convert_element_type3A_201, %cond3A_202 : i32
        scf.if %cond3A_203 {
          %sub3A = arith.constant 3 : i32
          %sub3A_212 = arith.subi %add3A_110, %sub3A : i32
          %mul3A_213 = arith.constant 128 : i32
          %mul3A_214 = arith.muli %sub3A_212, %mul3A_213 : i32
          %add3A_215 = arith.addi %mul3A_2, %mul3A_214 : i32
          %dma_wait3A_216 = arith.constant 0 : i32
          %dma_wait3A_217 = tpu.memref_slice %arg5[%add3A_215, %dma_wait3A_216] : memref<204800x128xf32, #tpu.memory_space<hbm>> -> memref<128x128xf32, #tpu.memory_space<hbm>>
          %dma_wait3A_218 = arith.constant 0 : i32
          %dma_wait3A_219 = tpu.memref_slice %arg5[%add3A_215, %dma_wait3A_218] : memref<204800x128xf32, #tpu.memory_space<hbm>> -> memref<128x128xf32, #tpu.memory_space<hbm>>
          tpu.wait_dma2 semaphore(%arg22 : memref<!tpu.dma_semaphore, #tpu.memory_space<semaphore_mem>>) src(%arg11 : memref<128x128xf32, #tpu.memory_space<vmem>>) dst(%dma_wait3A_219 : memref<128x128xf32, #tpu.memory_space<hbm>>)
        } else {
        }
        %add3A_204 = arith.constant 2 : i32
        %add3A_205 = arith.addi %add3A_110, %add3A_204 : i32
        %dma_start3A_206 = arith.constant 0 : i32
        %dma_start3A_207 = tpu.memref_slice %arg6[%add3A_205, %dma_start3A_206] : memref<50x128xi32, #tpu.memory_space<vmem>> -> memref<1x128xi32, #tpu.memory_space<vmem>>
        %dma_start3A_208 = tpu.memref_squeeze %dma_start3A_207 : memref<1x128xi32, #tpu.memory_space<vmem>> -> memref<128xi32, #tpu.memory_space<vmem>>
        %dma_start3A_209 = arith.constant 0 : i32
        %dma_start3A_210 = arith.constant 0 : i32
        %dma_start3A_211 = tpu.memref_slice %arg2[%dma_start3A_209, %dma_start3A_210] : memref<100000x128xf32, #tpu.memory_space<hbm>> -> memref<100000x128xf32, #tpu.memory_space<hbm>>
        tpu.enqueue_indirect_dma source(%dma_start3A_211 : memref<100000x128xf32, #tpu.memory_space<hbm>>) target(%arg11 : memref<128x128xf32, #tpu.memory_space<vmem>>) offsets(%dma_start3A_208 : memref<128xi32, #tpu.memory_space<vmem>>) semaphore(%arg17 : memref<!tpu.dma_semaphore, #tpu.memory_space<semaphore_mem>>)
      } else {
      }
      %dma_wait3A_118 = arith.constant 0 : i32
      %dma_wait3A_119 = tpu.memref_slice %arg6[%add3A_110, %dma_wait3A_118] : memref<50x128xi32, #tpu.memory_space<vmem>> -> memref<1x128xi32, #tpu.memory_space<vmem>>
      %dma_wait3A_120 = tpu.memref_squeeze %dma_wait3A_119 : memref<1x128xi32, #tpu.memory_space<vmem>> -> memref<128xi32, #tpu.memory_space<vmem>>
      %dma_wait3A_121 = arith.constant 0 : i32
      %dma_wait3A_122 = arith.constant 0 : i32
      %dma_wait3A_123 = tpu.memref_slice %arg2[%dma_wait3A_121, %dma_wait3A_122] : memref<100000x128xf32, #tpu.memory_space<hbm>> -> memref<100000x128xf32, #tpu.memory_space<hbm>>
      tpu.wait_indirect_dma semaphore(%arg15 : memref<!tpu.dma_semaphore, #tpu.memory_space<semaphore_mem>>) src(%dma_wait3A_123 : memref<100000x128xf32, #tpu.memory_space<hbm>>) dst(%arg9 : memref<128x128xf32, #tpu.memory_space<vmem>>)
      %mul3A_124 = arith.constant 128 : i32
      %mul3A_125 = arith.muli %add3A_110, %mul3A_124 : i32
      %rem3A_126 = arith.constant 200 : i32
      %rem3A_127 = arith.remsi %mul3A_125, %rem3A_126 : i32
      %parallel_loop3A_128 = arith.constant 0 : i32
      %parallel_loop3A_129 = arith.constant 128 : i32
      %parallel_loop3A_130 = arith.constant 1 : i32
      scf.for %parallel_loop3A_200 = %parallel_loop3A_128 to %parallel_loop3A_129 step %parallel_loop3A_130  : i32 {
        %parallel_loop3A_201 = arith.addi %rem3A_127, %parallel_loop3A_200 : i32
        %parallel_loop3A_202 = arith.index_cast %parallel_loop3A_200 : i32 to index
        %parallel_loop3A_203 = arith.constant 0 : index
        %parallel_loop3A_204 = tpu.vector_load %arg9[%parallel_loop3A_202, %parallel_loop3A_203] {strides = array<i32>} : memref<128x128xf32, #tpu.memory_space<vmem>>, vector<1x16xf32>,
        %parallel_loop3A_205 = vector.shape_cast %parallel_loop3A_204 : vector<1x16xf32> to vector<16xf32>
        %parallel_loop3A_206 = arith.index_cast %parallel_loop3A_201 : i32 to index
        %parallel_loop3A_207 = arith.constant 0 : index
        %parallel_loop3A_208 = tpu.vector_load %arg12[%parallel_loop3A_206, %parallel_loop3A_207] {strides = array<i32>} : memref<320x128xf32, #tpu.memory_space<vmem>>, vector<1x16xf32>,
        %parallel_loop3A_209 = vector.shape_cast %parallel_loop3A_208 : vector<1x16xf32> to vector<16xf32>
        %parallel_loop3A_210 = arith.addf %parallel_loop3A_205, %parallel_loop3A_209 : vector<16xf32>
        %parallel_loop3A_211 = arith.index_cast %parallel_loop3A_200 : i32 to index
        %parallel_loop3A_212 = arith.constant 0 : index
        %parallel_loop3A_213 = tpu.vector_load %arg9[%parallel_loop3A_211, %parallel_loop3A_212] {strides = array<i32>} : memref<128x128xf32, #tpu.memory_space<vmem>>, vector<1x16xf32>,
        %parallel_loop3A_214 = vector.shape_cast %parallel_loop3A_213 : vector<1x16xf32> to vector<16xf32>
        %parallel_loop3A_215 = vector.shape_cast %parallel_loop3A_210 : vector<16xf32> to vector<1x16xf32>
        tpu.vector_store %arg9[%parallel_loop3A_211, %parallel_loop3A_212], %parallel_loop3A_215 {strides = array<i32>} : memref<128x128xf32, #tpu.memory_space<vmem>>, vector<1x16xf32>,
        %parallel_loop3A_216 = arith.index_cast %parallel_loop3A_200 : i32 to index
        %parallel_loop3A_217 = arith.constant 16 : index
        %parallel_loop3A_218 = tpu.vector_load %arg9[%parallel_loop3A_216, %parallel_loop3A_217] {strides = array<i32>} : memref<128x128xf32, #tpu.memory_space<vmem>>, vector<1x16xf32>,
        %parallel_loop3A_219 = vector.shape_cast %parallel_loop3A_218 : vector<1x16xf32> to vector<16xf32>
        %parallel_loop3A_220 = arith.index_cast %parallel_loop3A_201 : i32 to index
        %parallel_loop3A_221 = arith.constant 16 : index
        %parallel_loop3A_222 = tpu.vector_load %arg12[%parallel_loop3A_220, %parallel_loop3A_221] {strides = array<i32>} : memref<320x128xf32, #tpu.memory_space<vmem>>, vector<1x16xf32>,
        %parallel_loop3A_223 = vector.shape_cast %parallel_loop3A_222 : vector<1x16xf32> to vector<16xf32>
        %parallel_loop3A_224 = arith.addf %parallel_loop3A_219, %parallel_loop3A_223 : vector<16xf32>
        %parallel_loop3A_225 = arith.index_cast %parallel_loop3A_200 : i32 to index
        %parallel_loop3A_226 = arith.constant 16 : index
        %parallel_loop3A_227 = tpu.vector_load %arg9[%parallel_loop3A_225, %parallel_loop3A_226] {strides = array<i32>} : memref<128x128xf32, #tpu.memory_space<vmem>>, vector<1x16xf32>,
        %parallel_loop3A_228 = vector.shape_cast %parallel_loop3A_227 : vector<1x16xf32> to vector<16xf32>
        %parallel_loop3A_229 = vector.shape_cast %parallel_loop3A_224 : vector<16xf32> to vector<1x16xf32>
        tpu.vector_store %arg9[%parallel_loop3A_225, %parallel_loop3A_226], %parallel_loop3A_229 {strides = array<i32>} : memref<128x128xf32, #tpu.memory_space<vmem>>, vector<1x16xf32>,
        %parallel_loop3A_230 = arith.index_cast %parallel_loop3A_200 : i32 to index
        %parallel_loop3A_231 = arith.constant 32 : index
        %parallel_loop3A_232 = tpu.vector_load %arg9[%parallel_loop3A_230, %parallel_loop3A_231] {strides = array<i32>} : memref<128x128xf32, #tpu.memory_space<vmem>>, vector<1x16xf32>,
        %parallel_loop3A_233 = vector.shape_cast %parallel_loop3A_232 : vector<1x16xf32> to vector<16xf32>
        %parallel_loop3A_234 = arith.index_cast %parallel_loop3A_201 : i32 to index
        %parallel_loop3A_235 = arith.constant 32 : index
        %parallel_loop3A_236 = tpu.vector_load %arg12[%parallel_loop3A_234, %parallel_loop3A_235] {strides = array<i32>} : memref<320x128xf32, #tpu.memory_space<vmem>>, vector<1x16xf32>,
        %parallel_loop3A_237 = vector.shape_cast %parallel_loop3A_236 : vector<1x16xf32> to vector<16xf32>
        %parallel_loop3A_238 = arith.addf %parallel_loop3A_233, %parallel_loop3A_237 : vector<16xf32>
        %parallel_loop3A_239 = arith.index_cast %parallel_loop3A_200 : i32 to index
        %parallel_loop3A_240 = arith.constant 32 : index
        %parallel_loop3A_241 = tpu.vector_load %arg9[%parallel_loop3A_239, %parallel_loop3A_240] {strides = array<i32>} : memref<128x128xf32, #tpu.memory_space<vmem>>, vector<1x16xf32>,
        %parallel_loop3A_242 = vector.shape_cast %parallel_loop3A_241 : vector<1x16xf32> to vector<16xf32>
        %parallel_loop3A_243 = vector.shape_cast %parallel_loop3A_238 : vector<16xf32> to vector<1x16xf32>
        tpu.vector_store %arg9[%parallel_loop3A_239, %parallel_loop3A_240], %parallel_loop3A_243 {strides = array<i32>} : memref<128x128xf32, #tpu.memory_space<vmem>>, vector<1x16xf32>,
        %parallel_loop3A_244 = arith.index_cast %parallel_loop3A_200 : i32 to index
        %parallel_loop3A_245 = arith.constant 48 : index
        %parallel_loop3A_246 = tpu.vector_load %arg9[%parallel_loop3A_244, %parallel_loop3A_245] {strides = array<i32>} : memref<128x128xf32, #tpu.memory_space<vmem>>, vector<1x16xf32>,
        %parallel_loop3A_247 = vector.shape_cast %parallel_loop3A_246 : vector<1x16xf32> to vector<16xf32>
        %parallel_loop3A_248 = arith.index_cast %parallel_loop3A_201 : i32 to index
        %parallel_loop3A_249 = arith.constant 48 : index
        %parallel_loop3A_250 = tpu.vector_load %arg12[%parallel_loop3A_248, %parallel_loop3A_249] {strides = array<i32>} : memref<320x128xf32, #tpu.memory_space<vmem>>, vector<1x16xf32>,
        %parallel_loop3A_251 = vector.shape_cast %parallel_loop3A_250 : vector<1x16xf32> to vector<16xf32>
        %parallel_loop3A_252 = arith.addf %parallel_loop3A_247, %parallel_loop3A_251 : vector<16xf32>
        %parallel_loop3A_253 = arith.index_cast %parallel_loop3A_200 : i32 to index
        %parallel_loop3A_254 = arith.constant 48 : index
        %parallel_loop3A_255 = tpu.vector_load %arg9[%parallel_loop3A_253, %parallel_loop3A_254] {strides = array<i32>} : memref<128x128xf32, #tpu.memory_space<vmem>>, vector<1x16xf32>,
        %parallel_loop3A_256 = vector.shape_cast %parallel_loop3A_255 : vector<1x16xf32> to vector<16xf32>
        %parallel_loop3A_257 = vector.shape_cast %parallel_loop3A_252 : vector<16xf32> to vector<1x16xf32>
        tpu.vector_store %arg9[%parallel_loop3A_253, %parallel_loop3A_254], %parallel_loop3A_257 {strides = array<i32>} : memref<128x128xf32, #tpu.memory_space<vmem>>, vector<1x16xf32>,
        %parallel_loop3A_258 = arith.index_cast %parallel_loop3A_200 : i32 to index
        %parallel_loop3A_259 = arith.constant 64 : index
        %parallel_loop3A_260 = tpu.vector_load %arg9[%parallel_loop3A_258, %parallel_loop3A_259] {strides = array<i32>} : memref<128x128xf32, #tpu.memory_space<vmem>>, vector<1x16xf32>,
        %parallel_loop3A_261 = vector.shape_cast %parallel_loop3A_260 : vector<1x16xf32> to vector<16xf32>
        %parallel_loop3A_262 = arith.index_cast %parallel_loop3A_201 : i32 to index
        %parallel_loop3A_263 = arith.constant 64 : index
        %parallel_loop3A_264 = tpu.vector_load %arg12[%parallel_loop3A_262, %parallel_loop3A_263] {strides = array<i32>} : memref<320x128xf32, #tpu.memory_space<vmem>>, vector<1x16xf32>,
        %parallel_loop3A_265 = vector.shape_cast %parallel_loop3A_264 : vector<1x16xf32> to vector<16xf32>
        %parallel_loop3A_266 = arith.addf %parallel_loop3A_261, %parallel_loop3A_265 : vector<16xf32>
        %parallel_loop3A_267 = arith.index_cast %parallel_loop3A_200 : i32 to index
        %parallel_loop3A_268 = arith.constant 64 : index
        %parallel_loop3A_269 = tpu.vector_load %arg9[%parallel_loop3A_267, %parallel_loop3A_268] {strides = array<i32>} : memref<128x128xf32, #tpu.memory_space<vmem>>, vector<1x16xf32>,
        %parallel_loop3A_270 = vector.shape_cast %parallel_loop3A_269 : vector<1x16xf32> to vector<16xf32>
        %parallel_loop3A_271 = vector.shape_cast %parallel_loop3A_266 : vector<16xf32> to vector<1x16xf32>
        tpu.vector_store %arg9[%parallel_loop3A_267, %parallel_loop3A_268], %parallel_loop3A_271 {strides = array<i32>} : memref<128x128xf32, #tpu.memory_space<vmem>>, vector<1x16xf32>,
        %parallel_loop3A_272 = arith.index_cast %parallel_loop3A_200 : i32 to index
        %parallel_loop3A_273 = arith.constant 80 : index
        %parallel_loop3A_274 = tpu.vector_load %arg9[%parallel_loop3A_272, %parallel_loop3A_273] {strides = array<i32>} : memref<128x128xf32, #tpu.memory_space<vmem>>, vector<1x16xf32>,
        %parallel_loop3A_275 = vector.shape_cast %parallel_loop3A_274 : vector<1x16xf32> to vector<16xf32>
        %parallel_loop3A_276 = arith.index_cast %parallel_loop3A_201 : i32 to index
        %parallel_loop3A_277 = arith.constant 80 : index
        %parallel_loop3A_278 = tpu.vector_load %arg12[%parallel_loop3A_276, %parallel_loop3A_277] {strides = array<i32>} : memref<320x128xf32, #tpu.memory_space<vmem>>, vector<1x16xf32>,
        %parallel_loop3A_279 = vector.shape_cast %parallel_loop3A_278 : vector<1x16xf32> to vector<16xf32>
        %parallel_loop3A_280 = arith.addf %parallel_loop3A_275, %parallel_loop3A_279 : vector<16xf32>
        %parallel_loop3A_281 = arith.index_cast %parallel_loop3A_200 : i32 to index
        %parallel_loop3A_282 = arith.constant 80 : index
        %parallel_loop3A_283 = tpu.vector_load %arg9[%parallel_loop3A_281, %parallel_loop3A_282] {strides = array<i32>} : memref<128x128xf32, #tpu.memory_space<vmem>>, vector<1x16xf32>,
        %parallel_loop3A_284 = vector.shape_cast %parallel_loop3A_283 : vector<1x16xf32> to vector<16xf32>
        %parallel_loop3A_285 = vector.shape_cast %parallel_loop3A_280 : vector<16xf32> to vector<1x16xf32>
        tpu.vector_store %arg9[%parallel_loop3A_281, %parallel_loop3A_282], %parallel_loop3A_285 {strides = array<i32>} : memref<128x128xf32, #tpu.memory_space<vmem>>, vector<1x16xf32>,
        %parallel_loop3A_286 = arith.index_cast %parallel_loop3A_200 : i32 to index
        %parallel_loop3A_287 = arith.constant 96 : index
        %parallel_loop3A_288 = tpu.vector_load %arg9[%parallel_loop3A_286, %parallel_loop3A_287] {strides = array<i32>} : memref<128x128xf32, #tpu.memory_space<vmem>>, vector<1x16xf32>,
        %parallel_loop3A_289 = vector.shape_cast %parallel_loop3A_288 : vector<1x16xf32> to vector<16xf32>
        %parallel_loop3A_290 = arith.index_cast %parallel_loop3A_201 : i32 to index
        %parallel_loop3A_291 = arith.constant 96 : index
        %parallel_loop3A_292 = tpu.vector_load %arg12[%parallel_loop3A_290, %parallel_loop3A_291] {strides = array<i32>} : memref<320x128xf32, #tpu.memory_space<vmem>>, vector<1x16xf32>,
        %parallel_loop3A_293 = vector.shape_cast %parallel_loop3A_292 : vector<1x16xf32> to vector<16xf32>
        %parallel_loop3A_294 = arith.addf %parallel_loop3A_289, %parallel_loop3A_293 : vector<16xf32>
        %parallel_loop3A_295 = arith.index_cast %parallel_loop3A_200 : i32 to index
        %parallel_loop3A_296 = arith.constant 96 : index
        %parallel_loop3A_297 = tpu.vector_load %arg9[%parallel_loop3A_295, %parallel_loop3A_296] {strides = array<i32>} : memref<128x128xf32, #tpu.memory_space<vmem>>, vector<1x16xf32>,
        %parallel_loop3A_298 = vector.shape_cast %parallel_loop3A_297 : vector<1x16xf32> to vector<16xf32>
        %parallel_loop3A_299 = vector.shape_cast %parallel_loop3A_294 : vector<16xf32> to vector<1x16xf32>
        tpu.vector_store %arg9[%parallel_loop3A_295, %parallel_loop3A_296], %parallel_loop3A_299 {strides = array<i32>} : memref<128x128xf32, #tpu.memory_space<vmem>>, vector<1x16xf32>,
        %parallel_loop3A_300 = arith.index_cast %parallel_loop3A_200 : i32 to index
        %parallel_loop3A_301 = arith.constant 112 : index
        %parallel_loop3A_302 = tpu.vector_load %arg9[%parallel_loop3A_300, %parallel_loop3A_301] {strides = array<i32>} : memref<128x128xf32, #tpu.memory_space<vmem>>, vector<1x16xf32>,
        %parallel_loop3A_303 = vector.shape_cast %parallel_loop3A_302 : vector<1x16xf32> to vector<16xf32>
        %parallel_loop3A_304 = arith.index_cast %parallel_loop3A_201 : i32 to index
        %parallel_loop3A_305 = arith.constant 112 : index
        %parallel_loop3A_306 = tpu.vector_load %arg12[%parallel_loop3A_304, %parallel_loop3A_305] {strides = array<i32>} : memref<320x128xf32, #tpu.memory_space<vmem>>, vector<1x16xf32>,
        %parallel_loop3A_307 = vector.shape_cast %parallel_loop3A_306 : vector<1x16xf32> to vector<16xf32>
        %parallel_loop3A_308 = arith.addf %parallel_loop3A_303, %parallel_loop3A_307 : vector<16xf32>
        %parallel_loop3A_309 = arith.index_cast %parallel_loop3A_200 : i32 to index
        %parallel_loop3A_310 = arith.constant 112 : index
        %parallel_loop3A_311 = tpu.vector_load %arg9[%parallel_loop3A_309, %parallel_loop3A_310] {strides = array<i32>} : memref<128x128xf32, #tpu.memory_space<vmem>>, vector<1x16xf32>,
        %parallel_loop3A_312 = vector.shape_cast %parallel_loop3A_311 : vector<1x16xf32> to vector<16xf32>
        %parallel_loop3A_313 = vector.shape_cast %parallel_loop3A_308 : vector<16xf32> to vector<1x16xf32>
        tpu.vector_store %arg9[%parallel_loop3A_309, %parallel_loop3A_310], %parallel_loop3A_313 {strides = array<i32>} : memref<128x128xf32, #tpu.memory_space<vmem>>, vector<1x16xf32>,
      } {sc.loop_unroll_factor = 4 : i64, sc.parallel_access}
      %mul3A_131 = arith.constant 128 : i32
      %mul3A_132 = arith.muli %add3A_110, %mul3A_131 : i32
      %add3A_133 = arith.addi %mul3A_2, %mul3A_132 : i32
      %dma_start3A_134 = arith.constant 0 : i32
      %dma_start3A_135 = tpu.memref_slice %arg5[%add3A_133, %dma_start3A_134] : memref<204800x128xf32, #tpu.memory_space<hbm>> -> memref<128x128xf32, #tpu.memory_space<hbm>>
      %dma_start3A_136 = arith.constant 0 : i32
      %dma_start3A_137 = tpu.memref_slice %arg5[%add3A_133, %dma_start3A_136] : memref<204800x128xf32, #tpu.memory_space<hbm>> -> memref<128x128xf32, #tpu.memory_space<hbm>>
      tpu.enqueue_dma source(%arg9 : memref<128x128xf32, #tpu.memory_space<vmem>>) target(%dma_start3A_137 : memref<128x128xf32, #tpu.memory_space<hbm>>) target_semaphore(%arg20 : memref<!tpu.dma_semaphore, #tpu.memory_space<semaphore_mem>>)
      %mul3A_138 = arith.constant 5 : i32
      %mul3A_139 = arith.muli %scan3A_49, %mul3A_138 : i32
      %add3A_140 = arith.constant 3 : i32
      %add3A_141 = arith.addi %mul3A_139, %add3A_140 : i32
      %add3A_142 = arith.constant 2 : i32
      %add3A_143 = arith.addi %add3A_141, %add3A_142 : i32
      %lt3A_144 = arith.constant 50 : i32
      %lt3A_145 = arith.cmpi slt, %add3A_143, %lt3A_144 : i32
      %convert_element_type3A_146 = arith.extui %lt3A_145 : i1 to i32
      %cond3A_147 = arith.constant 0 : i32
      %cond3A_148 = arith.cmpi ne, %convert_element_type3A_146, %cond3A_147 : i32
      scf.if %cond3A_148 {
        %ge3A = arith.constant 3 : i32
        %ge3A_200 = arith.cmpi sge, %add3A_141, %ge3A : i32
        %convert_element_type3A_201 = arith.extui %ge3A_200 : i1 to i32
        %cond3A_202 = arith.constant 0 : i32
        %cond3A_203 = arith.cmpi ne, %convert_element_type3A_201, %cond3A_202 : i32
        scf.if %cond3A_203 {
          %sub3A = arith.constant 3 : i32
          %sub3A_212 = arith.subi %add3A_141, %sub3A : i32
          %mul3A_213 = arith.constant 128 : i32
          %mul3A_214 = arith.muli %sub3A_212, %mul3A_213 : i32
          %add3A_215 = arith.addi %mul3A_2, %mul3A_214 : i32
          %dma_wait3A_216 = arith.constant 0 : i32
          %dma_wait3A_217 = tpu.memref_slice %arg5[%add3A_215, %dma_wait3A_216] : memref<204800x128xf32, #tpu.memory_space<hbm>> -> memref<128x128xf32, #tpu.memory_space<hbm>>
          %dma_wait3A_218 = arith.constant 0 : i32
          %dma_wait3A_219 = tpu.memref_slice %arg5[%add3A_215, %dma_wait3A_218] : memref<204800x128xf32, #tpu.memory_space<hbm>> -> memref<128x128xf32, #tpu.memory_space<hbm>>
          tpu.wait_dma2 semaphore(%arg18 : memref<!tpu.dma_semaphore, #tpu.memory_space<semaphore_mem>>) src(%arg7 : memref<128x128xf32, #tpu.memory_space<vmem>>) dst(%dma_wait3A_219 : memref<128x128xf32, #tpu.memory_space<hbm>>)
        } else {
        }
        %add3A_204 = arith.constant 2 : i32
        %add3A_205 = arith.addi %add3A_141, %add3A_204 : i32
        %dma_start3A_206 = arith.constant 0 : i32
        %dma_start3A_207 = tpu.memref_slice %arg6[%add3A_205, %dma_start3A_206] : memref<50x128xi32, #tpu.memory_space<vmem>> -> memref<1x128xi32, #tpu.memory_space<vmem>>
        %dma_start3A_208 = tpu.memref_squeeze %dma_start3A_207 : memref<1x128xi32, #tpu.memory_space<vmem>> -> memref<128xi32, #tpu.memory_space<vmem>>
        %dma_start3A_209 = arith.constant 0 : i32
        %dma_start3A_210 = arith.constant 0 : i32
        %dma_start3A_211 = tpu.memref_slice %arg2[%dma_start3A_209, %dma_start3A_210] : memref<100000x128xf32, #tpu.memory_space<hbm>> -> memref<100000x128xf32, #tpu.memory_space<hbm>>
        tpu.enqueue_indirect_dma source(%dma_start3A_211 : memref<100000x128xf32, #tpu.memory_space<hbm>>) target(%arg7 : memref<128x128xf32, #tpu.memory_space<vmem>>) offsets(%dma_start3A_208 : memref<128xi32, #tpu.memory_space<vmem>>) semaphore(%arg13 : memref<!tpu.dma_semaphore, #tpu.memory_space<semaphore_mem>>)
      } else {
      }
      %dma_wait3A_149 = arith.constant 0 : i32
      %dma_wait3A_150 = tpu.memref_slice %arg6[%add3A_141, %dma_wait3A_149] : memref<50x128xi32, #tpu.memory_space<vmem>> -> memref<1x128xi32, #tpu.memory_space<vmem>>
      %dma_wait3A_151 = tpu.memref_squeeze %dma_wait3A_150 : memref<1x128xi32, #tpu.memory_space<vmem>> -> memref<128xi32, #tpu.memory_space<vmem>>
      %dma_wait3A_152 = arith.constant 0 : i32
      %dma_wait3A_153 = arith.constant 0 : i32
      %dma_wait3A_154 = tpu.memref_slice %arg2[%dma_wait3A_152, %dma_wait3A_153] : memref<100000x128xf32, #tpu.memory_space<hbm>> -> memref<100000x128xf32, #tpu.memory_space<hbm>>
      tpu.wait_indirect_dma semaphore(%arg16 : memref<!tpu.dma_semaphore, #tpu.memory_space<semaphore_mem>>) src(%dma_wait3A_154 : memref<100000x128xf32, #tpu.memory_space<hbm>>) dst(%arg10 : memref<128x128xf32, #tpu.memory_space<vmem>>)
      %mul3A_155 = arith.constant 128 : i32
      %mul3A_156 = arith.muli %add3A_141, %mul3A_155 : i32
      %rem3A_157 = arith.constant 200 : i32
      %rem3A_158 = arith.remsi %mul3A_156, %rem3A_157 : i32
      %parallel_loop3A_159 = arith.constant 0 : i32
      %parallel_loop3A_160 = arith.constant 128 : i32
      %parallel_loop3A_161 = arith.constant 1 : i32
      scf.for %parallel_loop3A_200 = %parallel_loop3A_159 to %parallel_loop3A_160 step %parallel_loop3A_161  : i32 {
        %parallel_loop3A_201 = arith.addi %rem3A_158, %parallel_loop3A_200 : i32
        %parallel_loop3A_202 = arith.index_cast %parallel_loop3A_200 : i32 to index
        %parallel_loop3A_203 = arith.constant 0 : index
        %parallel_loop3A_204 = tpu.vector_load %arg10[%parallel_loop3A_202, %parallel_loop3A_203] {strides = array<i32>} : memref<128x128xf32, #tpu.memory_space<vmem>>, vector<1x16xf32>,
        %parallel_loop3A_205 = vector.shape_cast %parallel_loop3A_204 : vector<1x16xf32> to vector<16xf32>
        %parallel_loop3A_206 = arith.index_cast %parallel_loop3A_201 : i32 to index
        %parallel_loop3A_207 = arith.constant 0 : index
        %parallel_loop3A_208 = tpu.vector_load %arg12[%parallel_loop3A_206, %parallel_loop3A_207] {strides = array<i32>} : memref<320x128xf32, #tpu.memory_space<vmem>>, vector<1x16xf32>,
        %parallel_loop3A_209 = vector.shape_cast %parallel_loop3A_208 : vector<1x16xf32> to vector<16xf32>
        %parallel_loop3A_210 = arith.addf %parallel_loop3A_205, %parallel_loop3A_209 : vector<16xf32>
        %parallel_loop3A_211 = arith.index_cast %parallel_loop3A_200 : i32 to index
        %parallel_loop3A_212 = arith.constant 0 : index
        %parallel_loop3A_213 = tpu.vector_load %arg10[%parallel_loop3A_211, %parallel_loop3A_212] {strides = array<i32>} : memref<128x128xf32, #tpu.memory_space<vmem>>, vector<1x16xf32>,
        %parallel_loop3A_214 = vector.shape_cast %parallel_loop3A_213 : vector<1x16xf32> to vector<16xf32>
        %parallel_loop3A_215 = vector.shape_cast %parallel_loop3A_210 : vector<16xf32> to vector<1x16xf32>
        tpu.vector_store %arg10[%parallel_loop3A_211, %parallel_loop3A_212], %parallel_loop3A_215 {strides = array<i32>} : memref<128x128xf32, #tpu.memory_space<vmem>>, vector<1x16xf32>,
        %parallel_loop3A_216 = arith.index_cast %parallel_loop3A_200 : i32 to index
        %parallel_loop3A_217 = arith.constant 16 : index
        %parallel_loop3A_218 = tpu.vector_load %arg10[%parallel_loop3A_216, %parallel_loop3A_217] {strides = array<i32>} : memref<128x128xf32, #tpu.memory_space<vmem>>, vector<1x16xf32>,
        %parallel_loop3A_219 = vector.shape_cast %parallel_loop3A_218 : vector<1x16xf32> to vector<16xf32>
        %parallel_loop3A_220 = arith.index_cast %parallel_loop3A_201 : i32 to index
        %parallel_loop3A_221 = arith.constant 16 : index
        %parallel_loop3A_222 = tpu.vector_load %arg12[%parallel_loop3A_220, %parallel_loop3A_221] {strides = array<i32>} : memref<320x128xf32, #tpu.memory_space<vmem>>, vector<1x16xf32>,
        %parallel_loop3A_223 = vector.shape_cast %parallel_loop3A_222 : vector<1x16xf32> to vector<16xf32>
        %parallel_loop3A_224 = arith.addf %parallel_loop3A_219, %parallel_loop3A_223 : vector<16xf32>
        %parallel_loop3A_225 = arith.index_cast %parallel_loop3A_200 : i32 to index
        %parallel_loop3A_226 = arith.constant 16 : index
        %parallel_loop3A_227 = tpu.vector_load %arg10[%parallel_loop3A_225, %parallel_loop3A_226] {strides = array<i32>} : memref<128x128xf32, #tpu.memory_space<vmem>>, vector<1x16xf32>,
        %parallel_loop3A_228 = vector.shape_cast %parallel_loop3A_227 : vector<1x16xf32> to vector<16xf32>
        %parallel_loop3A_229 = vector.shape_cast %parallel_loop3A_224 : vector<16xf32> to vector<1x16xf32>
        tpu.vector_store %arg10[%parallel_loop3A_225, %parallel_loop3A_226], %parallel_loop3A_229 {strides = array<i32>} : memref<128x128xf32, #tpu.memory_space<vmem>>, vector<1x16xf32>,
        %parallel_loop3A_230 = arith.index_cast %parallel_loop3A_200 : i32 to index
        %parallel_loop3A_231 = arith.constant 32 : index
        %parallel_loop3A_232 = tpu.vector_load %arg10[%parallel_loop3A_230, %parallel_loop3A_231] {strides = array<i32>} : memref<128x128xf32, #tpu.memory_space<vmem>>, vector<1x16xf32>,
        %parallel_loop3A_233 = vector.shape_cast %parallel_loop3A_232 : vector<1x16xf32> to vector<16xf32>
        %parallel_loop3A_234 = arith.index_cast %parallel_loop3A_201 : i32 to index
        %parallel_loop3A_235 = arith.constant 32 : index
        %parallel_loop3A_236 = tpu.vector_load %arg12[%parallel_loop3A_234, %parallel_loop3A_235] {strides = array<i32>} : memref<320x128xf32, #tpu.memory_space<vmem>>, vector<1x16xf32>,
        %parallel_loop3A_237 = vector.shape_cast %parallel_loop3A_236 : vector<1x16xf32> to vector<16xf32>
        %parallel_loop3A_238 = arith.addf %parallel_loop3A_233, %parallel_loop3A_237 : vector<16xf32>
        %parallel_loop3A_239 = arith.index_cast %parallel_loop3A_200 : i32 to index
        %parallel_loop3A_240 = arith.constant 32 : index
        %parallel_loop3A_241 = tpu.vector_load %arg10[%parallel_loop3A_239, %parallel_loop3A_240] {strides = array<i32>} : memref<128x128xf32, #tpu.memory_space<vmem>>, vector<1x16xf32>,
        %parallel_loop3A_242 = vector.shape_cast %parallel_loop3A_241 : vector<1x16xf32> to vector<16xf32>
        %parallel_loop3A_243 = vector.shape_cast %parallel_loop3A_238 : vector<16xf32> to vector<1x16xf32>
        tpu.vector_store %arg10[%parallel_loop3A_239, %parallel_loop3A_240], %parallel_loop3A_243 {strides = array<i32>} : memref<128x128xf32, #tpu.memory_space<vmem>>, vector<1x16xf32>,
        %parallel_loop3A_244 = arith.index_cast %parallel_loop3A_200 : i32 to index
        %parallel_loop3A_245 = arith.constant 48 : index
        %parallel_loop3A_246 = tpu.vector_load %arg10[%parallel_loop3A_244, %parallel_loop3A_245] {strides = array<i32>} : memref<128x128xf32, #tpu.memory_space<vmem>>, vector<1x16xf32>,
        %parallel_loop3A_247 = vector.shape_cast %parallel_loop3A_246 : vector<1x16xf32> to vector<16xf32>
        %parallel_loop3A_248 = arith.index_cast %parallel_loop3A_201 : i32 to index
        %parallel_loop3A_249 = arith.constant 48 : index
        %parallel_loop3A_250 = tpu.vector_load %arg12[%parallel_loop3A_248, %parallel_loop3A_249] {strides = array<i32>} : memref<320x128xf32, #tpu.memory_space<vmem>>, vector<1x16xf32>,
        %parallel_loop3A_251 = vector.shape_cast %parallel_loop3A_250 : vector<1x16xf32> to vector<16xf32>
        %parallel_loop3A_252 = arith.addf %parallel_loop3A_247, %parallel_loop3A_251 : vector<16xf32>
        %parallel_loop3A_253 = arith.index_cast %parallel_loop3A_200 : i32 to index
        %parallel_loop3A_254 = arith.constant 48 : index
        %parallel_loop3A_255 = tpu.vector_load %arg10[%parallel_loop3A_253, %parallel_loop3A_254] {strides = array<i32>} : memref<128x128xf32, #tpu.memory_space<vmem>>, vector<1x16xf32>,
        %parallel_loop3A_256 = vector.shape_cast %parallel_loop3A_255 : vector<1x16xf32> to vector<16xf32>
        %parallel_loop3A_257 = vector.shape_cast %parallel_loop3A_252 : vector<16xf32> to vector<1x16xf32>
        tpu.vector_store %arg10[%parallel_loop3A_253, %parallel_loop3A_254], %parallel_loop3A_257 {strides = array<i32>} : memref<128x128xf32, #tpu.memory_space<vmem>>, vector<1x16xf32>,
        %parallel_loop3A_258 = arith.index_cast %parallel_loop3A_200 : i32 to index
        %parallel_loop3A_259 = arith.constant 64 : index
        %parallel_loop3A_260 = tpu.vector_load %arg10[%parallel_loop3A_258, %parallel_loop3A_259] {strides = array<i32>} : memref<128x128xf32, #tpu.memory_space<vmem>>, vector<1x16xf32>,
        %parallel_loop3A_261 = vector.shape_cast %parallel_loop3A_260 : vector<1x16xf32> to vector<16xf32>
        %parallel_loop3A_262 = arith.index_cast %parallel_loop3A_201 : i32 to index
        %parallel_loop3A_263 = arith.constant 64 : index
        %parallel_loop3A_264 = tpu.vector_load %arg12[%parallel_loop3A_262, %parallel_loop3A_263] {strides = array<i32>} : memref<320x128xf32, #tpu.memory_space<vmem>>, vector<1x16xf32>,
        %parallel_loop3A_265 = vector.shape_cast %parallel_loop3A_264 : vector<1x16xf32> to vector<16xf32>
        %parallel_loop3A_266 = arith.addf %parallel_loop3A_261, %parallel_loop3A_265 : vector<16xf32>
        %parallel_loop3A_267 = arith.index_cast %parallel_loop3A_200 : i32 to index
        %parallel_loop3A_268 = arith.constant 64 : index
        %parallel_loop3A_269 = tpu.vector_load %arg10[%parallel_loop3A_267, %parallel_loop3A_268] {strides = array<i32>} : memref<128x128xf32, #tpu.memory_space<vmem>>, vector<1x16xf32>,
        %parallel_loop3A_270 = vector.shape_cast %parallel_loop3A_269 : vector<1x16xf32> to vector<16xf32>
        %parallel_loop3A_271 = vector.shape_cast %parallel_loop3A_266 : vector<16xf32> to vector<1x16xf32>
        tpu.vector_store %arg10[%parallel_loop3A_267, %parallel_loop3A_268], %parallel_loop3A_271 {strides = array<i32>} : memref<128x128xf32, #tpu.memory_space<vmem>>, vector<1x16xf32>,
        %parallel_loop3A_272 = arith.index_cast %parallel_loop3A_200 : i32 to index
        %parallel_loop3A_273 = arith.constant 80 : index
        %parallel_loop3A_274 = tpu.vector_load %arg10[%parallel_loop3A_272, %parallel_loop3A_273] {strides = array<i32>} : memref<128x128xf32, #tpu.memory_space<vmem>>, vector<1x16xf32>,
        %parallel_loop3A_275 = vector.shape_cast %parallel_loop3A_274 : vector<1x16xf32> to vector<16xf32>
        %parallel_loop3A_276 = arith.index_cast %parallel_loop3A_201 : i32 to index
        %parallel_loop3A_277 = arith.constant 80 : index
        %parallel_loop3A_278 = tpu.vector_load %arg12[%parallel_loop3A_276, %parallel_loop3A_277] {strides = array<i32>} : memref<320x128xf32, #tpu.memory_space<vmem>>, vector<1x16xf32>,
        %parallel_loop3A_279 = vector.shape_cast %parallel_loop3A_278 : vector<1x16xf32> to vector<16xf32>
        %parallel_loop3A_280 = arith.addf %parallel_loop3A_275, %parallel_loop3A_279 : vector<16xf32>
        %parallel_loop3A_281 = arith.index_cast %parallel_loop3A_200 : i32 to index
        %parallel_loop3A_282 = arith.constant 80 : index
        %parallel_loop3A_283 = tpu.vector_load %arg10[%parallel_loop3A_281, %parallel_loop3A_282] {strides = array<i32>} : memref<128x128xf32, #tpu.memory_space<vmem>>, vector<1x16xf32>,
        %parallel_loop3A_284 = vector.shape_cast %parallel_loop3A_283 : vector<1x16xf32> to vector<16xf32>
        %parallel_loop3A_285 = vector.shape_cast %parallel_loop3A_280 : vector<16xf32> to vector<1x16xf32>
        tpu.vector_store %arg10[%parallel_loop3A_281, %parallel_loop3A_282], %parallel_loop3A_285 {strides = array<i32>} : memref<128x128xf32, #tpu.memory_space<vmem>>, vector<1x16xf32>,
        %parallel_loop3A_286 = arith.index_cast %parallel_loop3A_200 : i32 to index
        %parallel_loop3A_287 = arith.constant 96 : index
        %parallel_loop3A_288 = tpu.vector_load %arg10[%parallel_loop3A_286, %parallel_loop3A_287] {strides = array<i32>} : memref<128x128xf32, #tpu.memory_space<vmem>>, vector<1x16xf32>,
        %parallel_loop3A_289 = vector.shape_cast %parallel_loop3A_288 : vector<1x16xf32> to vector<16xf32>
        %parallel_loop3A_290 = arith.index_cast %parallel_loop3A_201 : i32 to index
        %parallel_loop3A_291 = arith.constant 96 : index
        %parallel_loop3A_292 = tpu.vector_load %arg12[%parallel_loop3A_290, %parallel_loop3A_291] {strides = array<i32>} : memref<320x128xf32, #tpu.memory_space<vmem>>, vector<1x16xf32>,
        %parallel_loop3A_293 = vector.shape_cast %parallel_loop3A_292 : vector<1x16xf32> to vector<16xf32>
        %parallel_loop3A_294 = arith.addf %parallel_loop3A_289, %parallel_loop3A_293 : vector<16xf32>
        %parallel_loop3A_295 = arith.index_cast %parallel_loop3A_200 : i32 to index
        %parallel_loop3A_296 = arith.constant 96 : index
        %parallel_loop3A_297 = tpu.vector_load %arg10[%parallel_loop3A_295, %parallel_loop3A_296] {strides = array<i32>} : memref<128x128xf32, #tpu.memory_space<vmem>>, vector<1x16xf32>,
        %parallel_loop3A_298 = vector.shape_cast %parallel_loop3A_297 : vector<1x16xf32> to vector<16xf32>
        %parallel_loop3A_299 = vector.shape_cast %parallel_loop3A_294 : vector<16xf32> to vector<1x16xf32>
        tpu.vector_store %arg10[%parallel_loop3A_295, %parallel_loop3A_296], %parallel_loop3A_299 {strides = array<i32>} : memref<128x128xf32, #tpu.memory_space<vmem>>, vector<1x16xf32>,
        %parallel_loop3A_300 = arith.index_cast %parallel_loop3A_200 : i32 to index
        %parallel_loop3A_301 = arith.constant 112 : index
        %parallel_loop3A_302 = tpu.vector_load %arg10[%parallel_loop3A_300, %parallel_loop3A_301] {strides = array<i32>} : memref<128x128xf32, #tpu.memory_space<vmem>>, vector<1x16xf32>,
        %parallel_loop3A_303 = vector.shape_cast %parallel_loop3A_302 : vector<1x16xf32> to vector<16xf32>
        %parallel_loop3A_304 = arith.index_cast %parallel_loop3A_201 : i32 to index
        %parallel_loop3A_305 = arith.constant 112 : index
        %parallel_loop3A_306 = tpu.vector_load %arg12[%parallel_loop3A_304, %parallel_loop3A_305] {strides = array<i32>} : memref<320x128xf32, #tpu.memory_space<vmem>>, vector<1x16xf32>,
        %parallel_loop3A_307 = vector.shape_cast %parallel_loop3A_306 : vector<1x16xf32> to vector<16xf32>
        %parallel_loop3A_308 = arith.addf %parallel_loop3A_303, %parallel_loop3A_307 : vector<16xf32>
        %parallel_loop3A_309 = arith.index_cast %parallel_loop3A_200 : i32 to index
        %parallel_loop3A_310 = arith.constant 112 : index
        %parallel_loop3A_311 = tpu.vector_load %arg10[%parallel_loop3A_309, %parallel_loop3A_310] {strides = array<i32>} : memref<128x128xf32, #tpu.memory_space<vmem>>, vector<1x16xf32>,
        %parallel_loop3A_312 = vector.shape_cast %parallel_loop3A_311 : vector<1x16xf32> to vector<16xf32>
        %parallel_loop3A_313 = vector.shape_cast %parallel_loop3A_308 : vector<16xf32> to vector<1x16xf32>
        tpu.vector_store %arg10[%parallel_loop3A_309, %parallel_loop3A_310], %parallel_loop3A_313 {strides = array<i32>} : memref<128x128xf32, #tpu.memory_space<vmem>>, vector<1x16xf32>,
      } {sc.loop_unroll_factor = 4 : i64, sc.parallel_access}
      %mul3A_162 = arith.constant 128 : i32
      %mul3A_163 = arith.muli %add3A_141, %mul3A_162 : i32
      %add3A_164 = arith.addi %mul3A_2, %mul3A_163 : i32
      %dma_start3A_165 = arith.constant 0 : i32
      %dma_start3A_166 = tpu.memref_slice %arg5[%add3A_164, %dma_start3A_165] : memref<204800x128xf32, #tpu.memory_space<hbm>> -> memref<128x128xf32, #tpu.memory_space<hbm>>
      %dma_start3A_167 = arith.constant 0 : i32
      %dma_start3A_168 = tpu.memref_slice %arg5[%add3A_164, %dma_start3A_167] : memref<204800x128xf32, #tpu.memory_space<hbm>> -> memref<128x128xf32, #tpu.memory_space<hbm>>
      tpu.enqueue_dma source(%arg10 : memref<128x128xf32, #tpu.memory_space<vmem>>) target(%dma_start3A_168 : memref<128x128xf32, #tpu.memory_space<hbm>>) target_semaphore(%arg21 : memref<!tpu.dma_semaphore, #tpu.memory_space<semaphore_mem>>)
      %mul3A_169 = arith.constant 5 : i32
      %mul3A_170 = arith.muli %scan3A_49, %mul3A_169 : i32
      %add3A_171 = arith.constant 4 : i32
      %add3A_172 = arith.addi %mul3A_170, %add3A_171 : i32
      %add3A_173 = arith.constant 2 : i32
      %add3A_174 = arith.addi %add3A_172, %add3A_173 : i32
      %lt3A_175 = arith.constant 50 : i32
      %lt3A_176 = arith.cmpi slt, %add3A_174, %lt3A_175 : i32
      %convert_element_type3A_177 = arith.extui %lt3A_176 : i1 to i32
      %cond3A_178 = arith.constant 0 : i32
      %cond3A_179 = arith.cmpi ne, %convert_element_type3A_177, %cond3A_178 : i32
      scf.if %cond3A_179 {
        %ge3A = arith.constant 3 : i32
        %ge3A_200 = arith.cmpi sge, %add3A_172, %ge3A : i32
        %convert_element_type3A_201 = arith.extui %ge3A_200 : i1 to i32
        %cond3A_202 = arith.constant 0 : i32
        %cond3A_203 = arith.cmpi ne, %convert_element_type3A_201, %cond3A_202 : i32
        scf.if %cond3A_203 {
          %sub3A = arith.constant 3 : i32
          %sub3A_212 = arith.subi %add3A_172, %sub3A : i32
          %mul3A_213 = arith.constant 128 : i32
          %mul3A_214 = arith.muli %sub3A_212, %mul3A_213 : i32
          %add3A_215 = arith.addi %mul3A_2, %mul3A_214 : i32
          %dma_wait3A_216 = arith.constant 0 : i32
          %dma_wait3A_217 = tpu.memref_slice %arg5[%add3A_215, %dma_wait3A_216] : memref<204800x128xf32, #tpu.memory_space<hbm>> -> memref<128x128xf32, #tpu.memory_space<hbm>>
          %dma_wait3A_218 = arith.constant 0 : i32
          %dma_wait3A_219 = tpu.memref_slice %arg5[%add3A_215, %dma_wait3A_218] : memref<204800x128xf32, #tpu.memory_space<hbm>> -> memref<128x128xf32, #tpu.memory_space<hbm>>
          tpu.wait_dma2 semaphore(%arg19 : memref<!tpu.dma_semaphore, #tpu.memory_space<semaphore_mem>>) src(%arg8 : memref<128x128xf32, #tpu.memory_space<vmem>>) dst(%dma_wait3A_219 : memref<128x128xf32, #tpu.memory_space<hbm>>)
        } else {
        }
        %add3A_204 = arith.constant 2 : i32
        %add3A_205 = arith.addi %add3A_172, %add3A_204 : i32
        %dma_start3A_206 = arith.constant 0 : i32
        %dma_start3A_207 = tpu.memref_slice %arg6[%add3A_205, %dma_start3A_206] : memref<50x128xi32, #tpu.memory_space<vmem>> -> memref<1x128xi32, #tpu.memory_space<vmem>>
        %dma_start3A_208 = tpu.memref_squeeze %dma_start3A_207 : memref<1x128xi32, #tpu.memory_space<vmem>> -> memref<128xi32, #tpu.memory_space<vmem>>
        %dma_start3A_209 = arith.constant 0 : i32
        %dma_start3A_210 = arith.constant 0 : i32
        %dma_start3A_211 = tpu.memref_slice %arg2[%dma_start3A_209, %dma_start3A_210] : memref<100000x128xf32, #tpu.memory_space<hbm>> -> memref<100000x128xf32, #tpu.memory_space<hbm>>
        tpu.enqueue_indirect_dma source(%dma_start3A_211 : memref<100000x128xf32, #tpu.memory_space<hbm>>) target(%arg8 : memref<128x128xf32, #tpu.memory_space<vmem>>) offsets(%dma_start3A_208 : memref<128xi32, #tpu.memory_space<vmem>>) semaphore(%arg14 : memref<!tpu.dma_semaphore, #tpu.memory_space<semaphore_mem>>)
      } else {
      }
      %dma_wait3A_180 = arith.constant 0 : i32
      %dma_wait3A_181 = tpu.memref_slice %arg6[%add3A_172, %dma_wait3A_180] : memref<50x128xi32, #tpu.memory_space<vmem>> -> memref<1x128xi32, #tpu.memory_space<vmem>>
      %dma_wait3A_182 = tpu.memref_squeeze %dma_wait3A_181 : memref<1x128xi32, #tpu.memory_space<vmem>> -> memref<128xi32, #tpu.memory_space<vmem>>
      %dma_wait3A_183 = arith.constant 0 : i32
      %dma_wait3A_184 = arith.constant 0 : i32
      %dma_wait3A_185 = tpu.memref_slice %arg2[%dma_wait3A_183, %dma_wait3A_184] : memref<100000x128xf32, #tpu.memory_space<hbm>> -> memref<100000x128xf32, #tpu.memory_space<hbm>>
      tpu.wait_indirect_dma semaphore(%arg17 : memref<!tpu.dma_semaphore, #tpu.memory_space<semaphore_mem>>) src(%dma_wait3A_185 : memref<100000x128xf32, #tpu.memory_space<hbm>>) dst(%arg11 : memref<128x128xf32, #tpu.memory_space<vmem>>)
      %mul3A_186 = arith.constant 128 : i32
      %mul3A_187 = arith.muli %add3A_172, %mul3A_186 : i32
      %rem3A_188 = arith.constant 200 : i32
      %rem3A_189 = arith.remsi %mul3A_187, %rem3A_188 : i32
      %parallel_loop3A_190 = arith.constant 0 : i32
      %parallel_loop3A_191 = arith.constant 128 : i32
      %parallel_loop3A_192 = arith.constant 1 : i32
      scf.for %parallel_loop3A_200 = %parallel_loop3A_190 to %parallel_loop3A_191 step %parallel_loop3A_192  : i32 {
        %parallel_loop3A_201 = arith.addi %rem3A_189, %parallel_loop3A_200 : i32
        %parallel_loop3A_202 = arith.index_cast %parallel_loop3A_200 : i32 to index
        %parallel_loop3A_203 = arith.constant 0 : index
        %parallel_loop3A_204 = tpu.vector_load %arg11[%parallel_loop3A_202, %parallel_loop3A_203] {strides = array<i32>} : memref<128x128xf32, #tpu.memory_space<vmem>>, vector<1x16xf32>,
        %parallel_loop3A_205 = vector.shape_cast %parallel_loop3A_204 : vector<1x16xf32> to vector<16xf32>
        %parallel_loop3A_206 = arith.index_cast %parallel_loop3A_201 : i32 to index
        %parallel_loop3A_207 = arith.constant 0 : index
        %parallel_loop3A_208 = tpu.vector_load %arg12[%parallel_loop3A_206, %parallel_loop3A_207] {strides = array<i32>} : memref<320x128xf32, #tpu.memory_space<vmem>>, vector<1x16xf32>,
        %parallel_loop3A_209 = vector.shape_cast %parallel_loop3A_208 : vector<1x16xf32> to vector<16xf32>
        %parallel_loop3A_210 = arith.addf %parallel_loop3A_205, %parallel_loop3A_209 : vector<16xf32>
        %parallel_loop3A_211 = arith.index_cast %parallel_loop3A_200 : i32 to index
        %parallel_loop3A_212 = arith.constant 0 : index
        %parallel_loop3A_213 = tpu.vector_load %arg11[%parallel_loop3A_211, %parallel_loop3A_212] {strides = array<i32>} : memref<128x128xf32, #tpu.memory_space<vmem>>, vector<1x16xf32>,
        %parallel_loop3A_214 = vector.shape_cast %parallel_loop3A_213 : vector<1x16xf32> to vector<16xf32>
        %parallel_loop3A_215 = vector.shape_cast %parallel_loop3A_210 : vector<16xf32> to vector<1x16xf32>
        tpu.vector_store %arg11[%parallel_loop3A_211, %parallel_loop3A_212], %parallel_loop3A_215 {strides = array<i32>} : memref<128x128xf32, #tpu.memory_space<vmem>>, vector<1x16xf32>,
        %parallel_loop3A_216 = arith.index_cast %parallel_loop3A_200 : i32 to index
        %parallel_loop3A_217 = arith.constant 16 : index
        %parallel_loop3A_218 = tpu.vector_load %arg11[%parallel_loop3A_216, %parallel_loop3A_217] {strides = array<i32>} : memref<128x128xf32, #tpu.memory_space<vmem>>, vector<1x16xf32>,
        %parallel_loop3A_219 = vector.shape_cast %parallel_loop3A_218 : vector<1x16xf32> to vector<16xf32>
        %parallel_loop3A_220 = arith.index_cast %parallel_loop3A_201 : i32 to index
        %parallel_loop3A_221 = arith.constant 16 : index
        %parallel_loop3A_222 = tpu.vector_load %arg12[%parallel_loop3A_220, %parallel_loop3A_221] {strides = array<i32>} : memref<320x128xf32, #tpu.memory_space<vmem>>, vector<1x16xf32>,
        %parallel_loop3A_223 = vector.shape_cast %parallel_loop3A_222 : vector<1x16xf32> to vector<16xf32>
        %parallel_loop3A_224 = arith.addf %parallel_loop3A_219, %parallel_loop3A_223 : vector<16xf32>
        %parallel_loop3A_225 = arith.index_cast %parallel_loop3A_200 : i32 to index
        %parallel_loop3A_226 = arith.constant 16 : index
        %parallel_loop3A_227 = tpu.vector_load %arg11[%parallel_loop3A_225, %parallel_loop3A_226] {strides = array<i32>} : memref<128x128xf32, #tpu.memory_space<vmem>>, vector<1x16xf32>,
        %parallel_loop3A_228 = vector.shape_cast %parallel_loop3A_227 : vector<1x16xf32> to vector<16xf32>
        %parallel_loop3A_229 = vector.shape_cast %parallel_loop3A_224 : vector<16xf32> to vector<1x16xf32>
        tpu.vector_store %arg11[%parallel_loop3A_225, %parallel_loop3A_226], %parallel_loop3A_229 {strides = array<i32>} : memref<128x128xf32, #tpu.memory_space<vmem>>, vector<1x16xf32>,
        %parallel_loop3A_230 = arith.index_cast %parallel_loop3A_200 : i32 to index
        %parallel_loop3A_231 = arith.constant 32 : index
        %parallel_loop3A_232 = tpu.vector_load %arg11[%parallel_loop3A_230, %parallel_loop3A_231] {strides = array<i32>} : memref<128x128xf32, #tpu.memory_space<vmem>>, vector<1x16xf32>,
        %parallel_loop3A_233 = vector.shape_cast %parallel_loop3A_232 : vector<1x16xf32> to vector<16xf32>
        %parallel_loop3A_234 = arith.index_cast %parallel_loop3A_201 : i32 to index
        %parallel_loop3A_235 = arith.constant 32 : index
        %parallel_loop3A_236 = tpu.vector_load %arg12[%parallel_loop3A_234, %parallel_loop3A_235] {strides = array<i32>} : memref<320x128xf32, #tpu.memory_space<vmem>>, vector<1x16xf32>,
        %parallel_loop3A_237 = vector.shape_cast %parallel_loop3A_236 : vector<1x16xf32> to vector<16xf32>
        %parallel_loop3A_238 = arith.addf %parallel_loop3A_233, %parallel_loop3A_237 : vector<16xf32>
        %parallel_loop3A_239 = arith.index_cast %parallel_loop3A_200 : i32 to index
        %parallel_loop3A_240 = arith.constant 32 : index
        %parallel_loop3A_241 = tpu.vector_load %arg11[%parallel_loop3A_239, %parallel_loop3A_240] {strides = array<i32>} : memref<128x128xf32, #tpu.memory_space<vmem>>, vector<1x16xf32>,
        %parallel_loop3A_242 = vector.shape_cast %parallel_loop3A_241 : vector<1x16xf32> to vector<16xf32>
        %parallel_loop3A_243 = vector.shape_cast %parallel_loop3A_238 : vector<16xf32> to vector<1x16xf32>
        tpu.vector_store %arg11[%parallel_loop3A_239, %parallel_loop3A_240], %parallel_loop3A_243 {strides = array<i32>} : memref<128x128xf32, #tpu.memory_space<vmem>>, vector<1x16xf32>,
        %parallel_loop3A_244 = arith.index_cast %parallel_loop3A_200 : i32 to index
        %parallel_loop3A_245 = arith.constant 48 : index
        %parallel_loop3A_246 = tpu.vector_load %arg11[%parallel_loop3A_244, %parallel_loop3A_245] {strides = array<i32>} : memref<128x128xf32, #tpu.memory_space<vmem>>, vector<1x16xf32>,
        %parallel_loop3A_247 = vector.shape_cast %parallel_loop3A_246 : vector<1x16xf32> to vector<16xf32>
        %parallel_loop3A_248 = arith.index_cast %parallel_loop3A_201 : i32 to index
        %parallel_loop3A_249 = arith.constant 48 : index
        %parallel_loop3A_250 = tpu.vector_load %arg12[%parallel_loop3A_248, %parallel_loop3A_249] {strides = array<i32>} : memref<320x128xf32, #tpu.memory_space<vmem>>, vector<1x16xf32>,
        %parallel_loop3A_251 = vector.shape_cast %parallel_loop3A_250 : vector<1x16xf32> to vector<16xf32>
        %parallel_loop3A_252 = arith.addf %parallel_loop3A_247, %parallel_loop3A_251 : vector<16xf32>
        %parallel_loop3A_253 = arith.index_cast %parallel_loop3A_200 : i32 to index
        %parallel_loop3A_254 = arith.constant 48 : index
        %parallel_loop3A_255 = tpu.vector_load %arg11[%parallel_loop3A_253, %parallel_loop3A_254] {strides = array<i32>} : memref<128x128xf32, #tpu.memory_space<vmem>>, vector<1x16xf32>,
        %parallel_loop3A_256 = vector.shape_cast %parallel_loop3A_255 : vector<1x16xf32> to vector<16xf32>
        %parallel_loop3A_257 = vector.shape_cast %parallel_loop3A_252 : vector<16xf32> to vector<1x16xf32>
        tpu.vector_store %arg11[%parallel_loop3A_253, %parallel_loop3A_254], %parallel_loop3A_257 {strides = array<i32>} : memref<128x128xf32, #tpu.memory_space<vmem>>, vector<1x16xf32>,
        %parallel_loop3A_258 = arith.index_cast %parallel_loop3A_200 : i32 to index
        %parallel_loop3A_259 = arith.constant 64 : index
        %parallel_loop3A_260 = tpu.vector_load %arg11[%parallel_loop3A_258, %parallel_loop3A_259] {strides = array<i32>} : memref<128x128xf32, #tpu.memory_space<vmem>>, vector<1x16xf32>,
        %parallel_loop3A_261 = vector.shape_cast %parallel_loop3A_260 : vector<1x16xf32> to vector<16xf32>
        %parallel_loop3A_262 = arith.index_cast %parallel_loop3A_201 : i32 to index
        %parallel_loop3A_263 = arith.constant 64 : index
        %parallel_loop3A_264 = tpu.vector_load %arg12[%parallel_loop3A_262, %parallel_loop3A_263] {strides = array<i32>} : memref<320x128xf32, #tpu.memory_space<vmem>>, vector<1x16xf32>,
        %parallel_loop3A_265 = vector.shape_cast %parallel_loop3A_264 : vector<1x16xf32> to vector<16xf32>
        %parallel_loop3A_266 = arith.addf %parallel_loop3A_261, %parallel_loop3A_265 : vector<16xf32>
        %parallel_loop3A_267 = arith.index_cast %parallel_loop3A_200 : i32 to index
        %parallel_loop3A_268 = arith.constant 64 : index
        %parallel_loop3A_269 = tpu.vector_load %arg11[%parallel_loop3A_267, %parallel_loop3A_268] {strides = array<i32>} : memref<128x128xf32, #tpu.memory_space<vmem>>, vector<1x16xf32>,
        %parallel_loop3A_270 = vector.shape_cast %parallel_loop3A_269 : vector<1x16xf32> to vector<16xf32>
        %parallel_loop3A_271 = vector.shape_cast %parallel_loop3A_266 : vector<16xf32> to vector<1x16xf32>
        tpu.vector_store %arg11[%parallel_loop3A_267, %parallel_loop3A_268], %parallel_loop3A_271 {strides = array<i32>} : memref<128x128xf32, #tpu.memory_space<vmem>>, vector<1x16xf32>,
        %parallel_loop3A_272 = arith.index_cast %parallel_loop3A_200 : i32 to index
        %parallel_loop3A_273 = arith.constant 80 : index
        %parallel_loop3A_274 = tpu.vector_load %arg11[%parallel_loop3A_272, %parallel_loop3A_273] {strides = array<i32>} : memref<128x128xf32, #tpu.memory_space<vmem>>, vector<1x16xf32>,
        %parallel_loop3A_275 = vector.shape_cast %parallel_loop3A_274 : vector<1x16xf32> to vector<16xf32>
        %parallel_loop3A_276 = arith.index_cast %parallel_loop3A_201 : i32 to index
        %parallel_loop3A_277 = arith.constant 80 : index
        %parallel_loop3A_278 = tpu.vector_load %arg12[%parallel_loop3A_276, %parallel_loop3A_277] {strides = array<i32>} : memref<320x128xf32, #tpu.memory_space<vmem>>, vector<1x16xf32>,
        %parallel_loop3A_279 = vector.shape_cast %parallel_loop3A_278 : vector<1x16xf32> to vector<16xf32>
        %parallel_loop3A_280 = arith.addf %parallel_loop3A_275, %parallel_loop3A_279 : vector<16xf32>
        %parallel_loop3A_281 = arith.index_cast %parallel_loop3A_200 : i32 to index
        %parallel_loop3A_282 = arith.constant 80 : index
        %parallel_loop3A_283 = tpu.vector_load %arg11[%parallel_loop3A_281, %parallel_loop3A_282] {strides = array<i32>} : memref<128x128xf32, #tpu.memory_space<vmem>>, vector<1x16xf32>,
        %parallel_loop3A_284 = vector.shape_cast %parallel_loop3A_283 : vector<1x16xf32> to vector<16xf32>
        %parallel_loop3A_285 = vector.shape_cast %parallel_loop3A_280 : vector<16xf32> to vector<1x16xf32>
        tpu.vector_store %arg11[%parallel_loop3A_281, %parallel_loop3A_282], %parallel_loop3A_285 {strides = array<i32>} : memref<128x128xf32, #tpu.memory_space<vmem>>, vector<1x16xf32>,
        %parallel_loop3A_286 = arith.index_cast %parallel_loop3A_200 : i32 to index
        %parallel_loop3A_287 = arith.constant 96 : index
        %parallel_loop3A_288 = tpu.vector_load %arg11[%parallel_loop3A_286, %parallel_loop3A_287] {strides = array<i32>} : memref<128x128xf32, #tpu.memory_space<vmem>>, vector<1x16xf32>,
        %parallel_loop3A_289 = vector.shape_cast %parallel_loop3A_288 : vector<1x16xf32> to vector<16xf32>
        %parallel_loop3A_290 = arith.index_cast %parallel_loop3A_201 : i32 to index
        %parallel_loop3A_291 = arith.constant 96 : index
        %parallel_loop3A_292 = tpu.vector_load %arg12[%parallel_loop3A_290, %parallel_loop3A_291] {strides = array<i32>} : memref<320x128xf32, #tpu.memory_space<vmem>>, vector<1x16xf32>,
        %parallel_loop3A_293 = vector.shape_cast %parallel_loop3A_292 : vector<1x16xf32> to vector<16xf32>
        %parallel_loop3A_294 = arith.addf %parallel_loop3A_289, %parallel_loop3A_293 : vector<16xf32>
        %parallel_loop3A_295 = arith.index_cast %parallel_loop3A_200 : i32 to index
        %parallel_loop3A_296 = arith.constant 96 : index
        %parallel_loop3A_297 = tpu.vector_load %arg11[%parallel_loop3A_295, %parallel_loop3A_296] {strides = array<i32>} : memref<128x128xf32, #tpu.memory_space<vmem>>, vector<1x16xf32>,
        %parallel_loop3A_298 = vector.shape_cast %parallel_loop3A_297 : vector<1x16xf32> to vector<16xf32>
        %parallel_loop3A_299 = vector.shape_cast %parallel_loop3A_294 : vector<16xf32> to vector<1x16xf32>
        tpu.vector_store %arg11[%parallel_loop3A_295, %parallel_loop3A_296], %parallel_loop3A_299 {strides = array<i32>} : memref<128x128xf32, #tpu.memory_space<vmem>>, vector<1x16xf32>,
        %parallel_loop3A_300 = arith.index_cast %parallel_loop3A_200 : i32 to index
        %parallel_loop3A_301 = arith.constant 112 : index
        %parallel_loop3A_302 = tpu.vector_load %arg11[%parallel_loop3A_300, %parallel_loop3A_301] {strides = array<i32>} : memref<128x128xf32, #tpu.memory_space<vmem>>, vector<1x16xf32>,
        %parallel_loop3A_303 = vector.shape_cast %parallel_loop3A_302 : vector<1x16xf32> to vector<16xf32>
        %parallel_loop3A_304 = arith.index_cast %parallel_loop3A_201 : i32 to index
        %parallel_loop3A_305 = arith.constant 112 : index
        %parallel_loop3A_306 = tpu.vector_load %arg12[%parallel_loop3A_304, %parallel_loop3A_305] {strides = array<i32>} : memref<320x128xf32, #tpu.memory_space<vmem>>, vector<1x16xf32>,
        %parallel_loop3A_307 = vector.shape_cast %parallel_loop3A_306 : vector<1x16xf32> to vector<16xf32>
        %parallel_loop3A_308 = arith.addf %parallel_loop3A_303, %parallel_loop3A_307 : vector<16xf32>
        %parallel_loop3A_309 = arith.index_cast %parallel_loop3A_200 : i32 to index
        %parallel_loop3A_310 = arith.constant 112 : index
        %parallel_loop3A_311 = tpu.vector_load %arg11[%parallel_loop3A_309, %parallel_loop3A_310] {strides = array<i32>} : memref<128x128xf32, #tpu.memory_space<vmem>>, vector<1x16xf32>,
        %parallel_loop3A_312 = vector.shape_cast %parallel_loop3A_311 : vector<1x16xf32> to vector<16xf32>
        %parallel_loop3A_313 = vector.shape_cast %parallel_loop3A_308 : vector<16xf32> to vector<1x16xf32>
        tpu.vector_store %arg11[%parallel_loop3A_309, %parallel_loop3A_310], %parallel_loop3A_313 {strides = array<i32>} : memref<128x128xf32, #tpu.memory_space<vmem>>, vector<1x16xf32>,
      } {sc.loop_unroll_factor = 4 : i64, sc.parallel_access}
      %mul3A_193 = arith.constant 128 : i32
      %mul3A_194 = arith.muli %add3A_172, %mul3A_193 : i32
      %add3A_195 = arith.addi %mul3A_2, %mul3A_194 : i32
      %dma_start3A_196 = arith.constant 0 : i32
      %dma_start3A_197 = tpu.memref_slice %arg5[%add3A_195, %dma_start3A_196] : memref<204800x128xf32, #tpu.memory_space<hbm>> -> memref<128x128xf32, #tpu.memory_space<hbm>>
      %dma_start3A_198 = arith.constant 0 : i32
      %dma_start3A_199 = tpu.memref_slice %arg5[%add3A_195, %dma_start3A_198] : memref<204800x128xf32, #tpu.memory_space<hbm>> -> memref<128x128xf32, #tpu.memory_space<hbm>>
      tpu.enqueue_dma source(%arg11 : memref<128x128xf32, #tpu.memory_space<vmem>>) target(%dma_start3A_199 : memref<128x128xf32, #tpu.memory_space<hbm>>) target_semaphore(%arg22 : memref<!tpu.dma_semaphore, #tpu.memory_space<semaphore_mem>>)
    }
    %scan3A_19 = arith.constant 10 : i32
    %add3A_20 = arith.constant 5760 : i32
    %add3A_21 = arith.addi %mul3A_2, %add3A_20 : i32
    %dma_wait3A = arith.constant 0 : i32
    %dma_wait3A_22 = tpu.memref_slice %arg5[%add3A_21, %dma_wait3A] : memref<204800x128xf32, #tpu.memory_space<hbm>> -> memref<128x128xf32, #tpu.memory_space<hbm>>
    %dma_wait3A_23 = arith.constant 0 : i32
    %dma_wait3A_24 = tpu.memref_slice %arg5[%add3A_21, %dma_wait3A_23] : memref<204800x128xf32, #tpu.memory_space<hbm>> -> memref<128x128xf32, #tpu.memory_space<hbm>>
    tpu.wait_dma2 semaphore(%arg18 : memref<!tpu.dma_semaphore, #tpu.memory_space<semaphore_mem>>) src(%arg7 : memref<128x128xf32, #tpu.memory_space<vmem>>) dst(%dma_wait3A_24 : memref<128x128xf32, #tpu.memory_space<hbm>>)
    %add3A_25 = arith.constant 5888 : i32
    %add3A_26 = arith.addi %mul3A_2, %add3A_25 : i32
    %dma_wait3A_27 = arith.constant 0 : i32
    %dma_wait3A_28 = tpu.memref_slice %arg5[%add3A_26, %dma_wait3A_27] : memref<204800x128xf32, #tpu.memory_space<hbm>> -> memref<128x128xf32, #tpu.memory_space<hbm>>
    %dma_wait3A_29 = arith.constant 0 : i32
    %dma_wait3A_30 = tpu.memref_slice %arg5[%add3A_26, %dma_wait3A_29] : memref<204800x128xf32, #tpu.memory_space<hbm>> -> memref<128x128xf32, #tpu.memory_space<hbm>>
    tpu.wait_dma2 semaphore(%arg19 : memref<!tpu.dma_semaphore, #tpu.memory_space<semaphore_mem>>) src(%arg8 : memref<128x128xf32, #tpu.memory_space<vmem>>) dst(%dma_wait3A_30 : memref<128x128xf32, #tpu.memory_space<hbm>>)
    %add3A_31 = arith.constant 6016 : i32
    %add3A_32 = arith.addi %mul3A_2, %add3A_31 : i32
    %dma_wait3A_33 = arith.constant 0 : i32
    %dma_wait3A_34 = tpu.memref_slice %arg5[%add3A_32, %dma_wait3A_33] : memref<204800x128xf32, #tpu.memory_space<hbm>> -> memref<128x128xf32, #tpu.memory_space<hbm>>
    %dma_wait3A_35 = arith.constant 0 : i32
    %dma_wait3A_36 = tpu.memref_slice %arg5[%add3A_32, %dma_wait3A_35] : memref<204800x128xf32, #tpu.memory_space<hbm>> -> memref<128x128xf32, #tpu.memory_space<hbm>>
    tpu.wait_dma2 semaphore(%arg20 : memref<!tpu.dma_semaphore, #tpu.memory_space<semaphore_mem>>) src(%arg9 : memref<128x128xf32, #tpu.memory_space<vmem>>) dst(%dma_wait3A_36 : memref<128x128xf32, #tpu.memory_space<hbm>>)
    %add3A_37 = arith.constant 6144 : i32
    %add3A_38 = arith.addi %mul3A_2, %add3A_37 : i32
    %dma_wait3A_39 = arith.constant 0 : i32
    %dma_wait3A_40 = tpu.memref_slice %arg5[%add3A_38, %dma_wait3A_39] : memref<204800x128xf32, #tpu.memory_space<hbm>> -> memref<128x128xf32, #tpu.memory_space<hbm>>
    %dma_wait3A_41 = arith.constant 0 : i32
    %dma_wait3A_42 = tpu.memref_slice %arg5[%add3A_38, %dma_wait3A_41] : memref<204800x128xf32, #tpu.memory_space<hbm>> -> memref<128x128xf32, #tpu.memory_space<hbm>>
    tpu.wait_dma2 semaphore(%arg21 : memref<!tpu.dma_semaphore, #tpu.memory_space<semaphore_mem>>) src(%arg10 : memref<128x128xf32, #tpu.memory_space<vmem>>) dst(%dma_wait3A_42 : memref<128x128xf32, #tpu.memory_space<hbm>>)
    %add3A_43 = arith.constant 6272 : i32
    %add3A_44 = arith.addi %mul3A_2, %add3A_43 : i32
    %dma_wait3A_45 = arith.constant 0 : i32
    %dma_wait3A_46 = tpu.memref_slice %arg5[%add3A_44, %dma_wait3A_45] : memref<204800x128xf32, #tpu.memory_space<hbm>> -> memref<128x128xf32, #tpu.memory_space<hbm>>
    %dma_wait3A_47 = arith.constant 0 : i32
    %dma_wait3A_48 = tpu.memref_slice %arg5[%add3A_44, %dma_wait3A_47] : memref<204800x128xf32, #tpu.memory_space<hbm>> -> memref<128x128xf32, #tpu.memory_space<hbm>>
    tpu.wait_dma2 semaphore(%arg22 : memref<!tpu.dma_semaphore, #tpu.memory_space<semaphore_mem>>) src(%arg11 : memref<128x128xf32, #tpu.memory_space<vmem>>) dst(%dma_wait3A_48 : memref<128x128xf32, #tpu.memory_space<hbm>>)
    return
  }
}

</mosaic_0001>

<sc_bundles>
// kernel: _run.3.cloned.1.call-start
scs
__scs_entry_jumppad:
0x0: {  	(pc) =	sbr.rel $0x88, $3  }
0x1: {  	(tag) =	ssettag $0x0;
	lr =	simm.s32 $0x1  }
0x2: {  	[smem:$0x3F9E] =	sst lr;
	_ =	strace $0xD0000000  }
0x3: {  	_ = 	snop  }
0x4: {  	_ = 	snop  }
0x5: {  	_ = 	snop  }
0x6: {  	_ = 	snop  }
0x7: {  	_ = 	snop  }
__scs_overlays_trampoline_lowered:
0x8: {  	[smem:$0x3FAD] =	sst s0  }
0x9: {  	[smem:$0x3FAE] =	sst s1  }
0xa: {  	[smem:$0x3FAF] =	sst s2  }
0xb: {  	[smem:$0x3FB0] =	sst s3  }
0xc: {  	[smem:$0x3FB1] =	sst s4  }
0xd: {  	[smem:$0x3FB2] =	sst s5  }
0xe: {  	[smem:$0x3FB3] =	sst s6  }
0xf: {  	[smem:$0x3FB4] =	sst s7  }
0x10: {  	[smem:$0x3FB5] =	sst s8  }
0x11: {  	[smem:$0x3FB6] =	sst s9;
	s0 =	simm.s32 @!p0 $0x0  }
0x12: {  	s1 =	sld [smem:$0x3F9C];
	s0 =	simm.s32 @p0 $0x1  }
0x13: {  	[smem:$0x3FB7] =	sst s0;
	s0 =	simm.s32 @!p1 $0x0  }
0x14: {  	s2 =	sld [smem:$0x3F9B];
	s0 =	simm.s32 @p1 $0x1  }
0x15: {  	[smem:$0x3FB8] =	sst s0;
	s0 =	simm.s32 @!p2 $0x0  }
0x16: {  	s3 =	sld [smem:$0x3FDB];
	s0 =	simm.s32 @p2 $0x1  }
0x17: {  	s4 =	simm.s32 $0x1BF5;
	[smem:$0x3FBA] =	sst s0  }
0x18: {  	s0 =	sld [smem:$0x3F9D];
	_ =	swait.ge [sflag:s4], $0x0  }
0x19: {  	s7 =	sld [smem:$0x3F9E]  }
0x1a: {  	s8 =	sadd.s32 $0xFFFFE003, lr  }
0x1b: {  	s9 =	sadd.s32 $0xFFFFFEF7, lr;
	s5 =	simm.s32 $0xFFFFFFFF;
	p2 =	slt.u32 s8, $0xFFFFF086  }
0x1c: {  	p1 =	slt.u32 s9, $0xF7A;
	s5 =	simm.s32 @!p2 $0x0  }
0x1d: {  	s5 =	simm.s32 @p1 $0x1;
	p0 =	seq.s32 s7, s2  }
0x1e: {  	s7 =	smul.u32 @!p0 $0xF7A, s2;
	p2 =	seq.s32 @!p0 s5, $0x0  }
0x1f: {  	s9 =	smul.u32 $0xF7A, s1;
	s8 =	simm.s32 @!p0 $0x1BF5;
	p2 =	por !p2, p0  }
0x20: {  	[sflag:s8] =	ssyncset.s32 @!p0 $0xFFFFF086;
	s6 =	sadd.s32 @!p0 s3, s7;
	s7 =	simm.s32 @!p0 $0x108  }
0x21: {  	s3 =	sadd.s32 s3, s9;
	s6 =	sadd.s32 @!p0 $0x88, s6;
	s7 =	simm.s32 @p2 $0x1082  }
0x22: {  	[simem:s7], [sflag:s8] =	dma.local @!p0 [hbm:s6], $0xF7A  }
0x23: {  	s9 =	sor.u32 $0xD0000000, s2;
	s6 =	simm.s32 $0x108;
	_ =	swait.ge @!p0 [sflag:s8], $0x0  }
0x24: {  	s3 =	sadd.s32 $0x88, s3;
	s6 =	simm.s32 @!p1 $0x1082;
	[sflag:s4] =	ssyncset.s32 $0xFFFFF086  }
0x25: {  	[simem:s6], [sflag:s4] =	dma.local [hbm:s3], $0xF7A  }
0x26: {  	[smem:$0x3F9E] =	sst s1;
	(tag) =	ssettag s2;
	_ =	strace s9  }
0x27: {  	s1 =	sld [smem:$0x3FAE]  }
0x28: {  	s2 =	sld [smem:$0x3FAF]  }
0x29: {  	s4 =	sld [smem:$0x3FB1]  }
0x2a: {  	p0 =	seq.s32 s5, $0x0;
	s5 =	sld [smem:$0x3FB2]  }
0x2b: {  	s6 =	sld [smem:$0x3FB3]  }
0x2c: {  	s7 =	sld [smem:$0x3FB4]  }
0x2d: {  	s3 =	simm.s32 $0x108;
	s8 =	sld [smem:$0x3FB5]  }
0x2e: {  	s3 =	simm.s32 @!p0 $0x1082;
	s9 =	sld [smem:$0x3FB6]  }
0x2f: {  	lr =	sadd.s32 s0, s3;
	s0 =	sld [smem:$0x3FAD]  }
0x30: {  	s3 =	sld [smem:$0x3FB0]  }
0x31: {  	[smem:$0x3FB9] =	sst s10  }
0x32: {  	s10 =	sld [smem:$0x3FB7];
	_ =	sdelay $0x3  }
0x33: {  	p0 =	seq.s32 s10, $0x1;
	s10 =	sld [smem:$0x3FB9];
	_ =	sdelay $0x3  }
0x34: {  	[smem:$0x3FB9] =	sst s10  }
0x35: {  	s10 =	sld [smem:$0x3FB8];
	_ =	sdelay $0x3  }
0x36: {  	p1 =	seq.s32 s10, $0x1;
	s10 =	sld [smem:$0x3FB9];
	_ =	sdelay $0x3  }
0x37: {  	[smem:$0x3FB9] =	sst s10  }
0x38: {  	s10 =	sld [smem:$0x3FBA]  }
0x39: {  	_ = 	snop;
	(pc) =	sbr.ind lr, $3  }
0x3a: {  	_ = 	snop  }
0x3b: {  	_ = 	snop  }
0x3c: {  	p2 =	seq.s32 s10, $0x1;
	s10 =	sld [smem:$0x3FB9]  }
0x3d: {  	_ =	shalt  }
0x3e: {  	_ =	shalt  }
0x3f: {  	_ =	shalt  }
0x40: {  	_ =	shalt  }
0x41: {  	_ =	shalt  }
0x42: {  	_ =	shalt  }
0x43: {  	_ =	shalt  }
0x44: {  	_ =	shalt  }
0x45: {  	_ =	shalt  }
0x46: {  	_ =	shalt  }
0x47: {  	_ =	shalt  }
0x48: {  	_ =	shalt  }
0x49: {  	_ =	shalt  }
0x4a: {  	_ =	shalt  }
0x4b: {  	_ =	shalt  }
0x4c: {  	_ =	shalt  }
0x4d: {  	_ =	shalt  }
0x4e: {  	_ =	shalt  }
0x4f: {  	_ =	shalt  }
0x50: {  	_ =	shalt  }
0x51: {  	_ =	shalt  }
0x52: {  	_ =	shalt  }
0x53: {  	_ =	shalt  }
0x54: {  	_ =	shalt  }
0x55: {  	_ =	shalt  }
0x56: {  	_ =	shalt  }
0x57: {  	_ =	shalt  }
0x58: {  	_ =	shalt  }
0x59: {  	_ =	shalt  }
0x5a: {  	_ =	shalt  }
0x5b: {  	_ =	shalt  }
0x5c: {  	_ =	shalt  }
0x5d: {  	_ =	shalt  }
0x5e: {  	_ =	shalt  }
0x5f: {  	_ =	shalt  }
0x60: {  	_ =	shalt  }
0x61: {  	_ =	shalt  }
0x62: {  	_ =	shalt  }
0x63: {  	_ =	shalt  }
0x64: {  	_ =	shalt  }
0x65: {  	_ =	shalt  }
0x66: {  	_ =	shalt  }
0x67: {  	_ =	shalt  }
0x68: {  	_ =	shalt  }
0x69: {  	_ =	shalt  }
0x6a: {  	_ =	shalt  }
0x6b: {  	_ =	shalt  }
0x6c: {  	_ =	shalt  }
0x6d: {  	_ =	shalt  }
0x6e: {  	_ =	shalt  }
0x6f: {  	_ =	shalt  }
0x70: {  	_ =	shalt  }
0x71: {  	_ =	shalt  }
0x72: {  	_ =	shalt  }
0x73: {  	_ =	shalt  }
0x74: {  	_ =	shalt  }
0x75: {  	_ =	shalt  }
0x76: {  	_ =	shalt  }
0x77: {  	_ =	shalt  }
0x78: {  	_ =	shalt  }
0x79: {  	_ =	shalt  }
0x7a: {  	_ =	shalt  }
0x7b: {  	_ =	shalt  }
0x7c: {  	_ =	shalt  }
0x7d: {  	_ =	shalt  }
0x7e: {  	_ =	shalt  }
0x7f: {  	_ =	shalt  }
0x80: {  	_ =	shalt  }
0x81: {  	_ =	shalt  }
0x82: {  	_ =	shalt  }
0x83: {  	_ =	shalt  }
0x84: {  	_ =	shalt  }
0x85: {  	_ =	shalt  }
0x86: {  	_ =	shalt  }
0x87: {  	_ =	shalt  }
.Lfunc_end0:
.L_simem_size_0:
called_computation_lowered:
.L_overlay_start_0:
0x88: {  	s2 =	sld [smem:$0x3FD9]  }
0x89: {  	s3 =	sld [smem:$0x3FFE];
	_ =	sdelay $0x1  }
0x8a: {  	s1 =	srdreg.scid  }
0x8b: {  	s0 =	sand.u32 $0x1, s1  }
0x8c: {  	s17 =	sshll.u32 s0, $0xA;
	s2 =	sadd.s32 s3, s2  }
0x8d: {  	s2 =	sadd.s32 s2, s17  }
0x8e: {  	[smem:$0x3FC5] =	sst s2  }
0x8f: {  	_ = 	snop  }
0x90: {  	s2 =	sld [smem:$0x3FC8]  }
0x91: {  	s18 =	sld [smem:$0x3FC7]  }
0x92: {  	s4 =	sld [smem:$0x3FD0];
	(tm) =	ssettm $0x1  }
0x93: {  	s5 =	sld [smem:$0x3FFB];
	_ =	sdelay $0x3  }
0x94: {  	_ =	strace s5  }
0x95: {  	s5 =	sld [smem:$0x3FFC];
	_ =	sdelay $0x3  }
0x96: {  	_ =	strace s5  }
0x97: {  	s5 =	sld [smem:$0x3FFD];
	_ =	sdelay $0x3  }
0x98: {  	_ =	strace s5  }
0x99: {  	_ =	strace $0x8FFFFFFF  }
0x9a: {  	s19 =	sld [smem:$0x3FDB];
	_ =	sdelay $0x1  }
0x9b: {  	s6 =	simm.s32 $_scs_section_size  }
0x9c: {  	s7 =	simm.s32 $_size__tile_overlayer_lowered;
	s8 =	simm.s32 $_tile_overlayer_lowered  }
0x9d: {  	s22 =	simm.s32 $0x1BFF;
	s21 =	sshll.u32 s8, $0x1;
	s5 =	sadd.s32 s6, s19  }
0x9e: {  	s9 =	simm.s32 $0x0;
	s20 =	sshll.u32 s7, $0x1;
	s7 =	sadd.s32 s21, s5  }
0x9f: {  	[timem:s9], [sflag:s22] =	dma.local [hbm:s7], s20  }
0xa0: {  	_ =	swait.ge [sflag:s22], s20  }
0xa1: {  	s6 =	ssub.s32 $0x0, s20;
	[sflag:s22] =	ssyncset.done $0x0  }
0xa2: {  	[sflag:s22] =	ssyncadd.s32 s6;
	_ =	sdelay $0x1  }
0xa3: {  	s23 =	simm.s32 $0x1B8B  }
0xa4: {  	_ =	swait.ge [sflag:s23], $0x1  }
0xa5: {  	[sflag:s23] =	ssyncset.done $0x0  }
0xa6: {  	s25 =	simm.s32 $0x1B8E;
	s24 =	sld [smem:$0x3FFE];
	[sflag:s23] =	ssyncadd.s32 $0xFFFFFFFF  }
0xa7: {  	s26 =	simm.s32 $execute0_lowered;
	[smem:$0x3FD2] =	sst s25  }
0xa8: {  	s7 =	sshll.u32 s26, $0x1;
	_ =	strace $0x80000046;
	[dreg:$0x1] =	wrdreg $0xFFFFFFFF  }
0xa9: {  	s28 =	simm.s32 $_size_execute0_lowered;
	s5 =	sadd.s32 s5, s7;
	[dreg:$0x0] =	wrdreg $0x0  }
0xaa: {  	s7 =	sshll.u32 s28, $0x1;
	[dreg:$0x2] =	wrdreg s5  }
0xab: {  	[dreg:$0x3] =	wrdreg s7  }
0xac: {  	[dreg:$0x4] =	wrdreg $0xC0  }
0xad: {  	_ =	task [dreg:s9], $0x5FFFF  }
0xae: {  	[dreg:$0x1] =	wrdreg $0xFFFFFFFF  }
0xaf: {  	[dreg:$0x0] =	wrdreg $0x60  }
0xb0: {  	[dreg:$0x2] =	wrdreg s2  }
0xb1: {  	[dreg:$0x3] =	wrdreg s24  }
0xb2: {  	[dreg:$0x4] =	wrdreg s18  }
0xb3: {  	[dreg:$0x5] =	wrdreg s4  }
0xb4: {  	[dreg:$0x6] =	wrdreg $0x9  }
0xb5: {  	_ =	task.clear_ibuf [dreg:s9], $0x7FFFF;
	_ =	strace $0x90000046  }
0xb6: {  	s29 =	simm.s32 $0x9;
	_ =	strace $0x80000048  }
0xb7: {  	_ =	swait.ge [sflag:s29], $0x1  }
0xb8: {  	[sflag:s29] =	ssyncadd.s32 $0xFFFFFFFF  }
0xb9: {  	_ =	strace $0x90000048  }
0xba: {  	_ =	sfence  }
0xbb: {  	s30 =	sld [smem:$0x0];
	_ =	sdelay $0x2  }
0xbc: {  	s31 =	sshll.u32 s1, $0xD;
	s1 =	sshrl.u32 s1, $0x2  }
0xbd: {  	s3 =	sand.u32 $0x4000, s31;
	s1 =	sadd.s32 s1, s30  }
0xbe: {  	s0 =	sor.u32 s3, s0;
	s1 =	sshll.u32 s1, $0x11  }
0xbf: {  	s0 =	sor.u32 s1, s0  }
0xc0: {  	s0 =	sadd.s32 $0x8F2B, s0  }
0xc1: {  	[sflag:s0] =	ssyncadd.remote.s32 $0x1  }
0xc2: {  	_ =	sfence.sel $0xFFFF  }
0xc3: {  	[dreg:$0x0] =	wrdreg $0xFFFFFFFF;
	(pc) =	sbr.abs _section_cstart, $3  }
0xc4: {  	[dreg:$0x1] =	wrdreg $0xFFFFFFFF  }
0xc5: {  	_ =	task.clear_ibuf [dreg:s9], $0x2FFFF;
	_ =	strace $0x9FFFFFFF  }
0xc6: {  	(tm) =	ssettm $0x7FFFFFFF  }
0xc7: {  	_ =	shalt  }
tec
execute0_lowered:
.L_overlay_start_1:
0x0: {  	(tag) =	ssettag $0x1  }
0x1: {  	s1 =	rddreg [dreg:$0x0]  }
0x2: {  	s0 =	rddreg [dreg:$0x1];
	s2 =	srdreg.scid  }
0x3: {  	s3 =	stileid.u32;
	s4 =	rddreg [dreg:$0x3]  }
0x4: {  	s5 =	simm.s32 $0x0;
	s14 =	simm.s32 $0x80;
	s17 =	simm.s32 $0x9C00  }
0x5: {  	s18 =	simm.s32 $0x2;
	s2 =	sand.u32 $0x1, s2;
	s3 =	sshll.u32 s3, $0x1  }
0x6: {  	s20 =	simm.s32 $0x3;
	s3 =	sor.u32 s2, s3;
	s2 =	ssub.s32 $0x2, s2  }
0x7: {  	s21 =	simm.s32 $0x4;
	s6 =	smul.u32 $0x380, s3;
	s7 =	sshrl.u32 s2, $0x1  }
0x8: {  	s22 =	simm.s32 $0x5;
	[smem:$0x7FF] =	sst s5;
	s2 =	ssub.s32 s2, s7  }
0x9: {  	_ =	strace $0x80000047;
	s0 =	sadd.s32 s6, s0;
	s31 =	smax.u32 s2, $0x1  }
0xa: {  	s6 =	smul.u32 $0x1900, s3;
	s0 =	sadd.s32 $0x400, s0;
	[dreg:$0x6] =	wrdreg s31  }
0xb: {  	s3 =	simm.s32 $0xA;
	s2 =	simm.s32 $0x0;
	[dreg:$0x5] =	wrdreg s0  }
.LBB2_1:
0xc: {  	[dreg:$0x7] =	wrdreg s2  }
0xd: {  	s0 =	rddreg [dreg:$0x5];
	s24 =	simm.s32 $0xB  }
0xe: {  	[tilespmem:s5], [sflag:$0xB] =	stream.linear.gather [hbm4b:s0+s5], $0x1900, $0x38;
	[tilespmem:$0x1FC00] =	vst v63  }
0xf: {  	_ =	swait.ge [sflag:s24], $0x1900  }
0x10: {  	[sflag:s24] =	ssyncset.done $0x0  }
0x11: {  	[sflag:s24] =	ssyncadd.s32 $0xFFFFE700  }
0x12: {  	s25 =	simm.s32 $0x15C00;
	s26 =	simm.s32 $0x1C00;
	s0 =	rddreg [dreg:$0x2]  }
0x13: {  	[tilespmem:s25], [sflag:$0xA] =	stream.linear.gather [hbm4b:s0+s5], $0xA000, $0x38;
	[tilespmem:$0x1FC00] =	vst v63  }
0x14: {  	s28 =	simm.s32 $0x5C00;
	s29 =	simm.s32 $0x15DF0;
	s30 =	simm.s32 $0x19DF0  }
0x15: {  	[tilespmem:s26], [sflag:$0x1] =	stream.indirect.gather [hbm4b:s1+s14], $0x80, s5, s14, $0xb8;
	[tilespmem:$0x1FC00] =	vst v63  }
0x16: {  	s31 =	simm.s32 $0x1DDF0;
	s2 =	simm.s32 $0x100;
	s10 =	simm.s32 $0x25DF0  }
0x17: {  	[tilespmem:s28], [sflag:$0x2] =	stream.indirect.gather [hbm4b:s1+s14], $0x80, s14, s14, $0xb8;
	[tilespmem:$0x1FC00] =	vst v63  }
0x18: {  	s7 =	simm.s32 $0x200;
	s8 =	simm.s32 $0x80;
	_ =	swait.ge [sflag:s3], $0xA000  }
0x19: {  	s9 =	simm.s32 $0x0;
	s23 =	simm.s32 $0x0;
	[sflag:s3] =	ssyncset.done $0x0  }
0x1a: {  	s0 =	simm.s32 $0x21DF0;
	[sflag:s3] =	ssyncadd.s32 $0xFFFF6000;
	s3 =	simm.s32 $0x180  }
.LBB2_2:
0x1b: {  	s28 =	smul.u32 $0x5, s23;
	p0 =	seq.s32 s23, $0x0  }
0x1c: {  	s11 =	simm.s32 @!p0 $0x8  }
0x1d: {  	s12 =	smulhi.u32 $0x51EB851F, s9;
	s13 =	sadd.s32 $0x2, s28;
	_ =	swait.ge @!p0 [sflag:s11], $0x4000  }
0x1e: {  	s19 =	simm.s32 $0x1;
	[sflag:s11] =	ssyncset.done @!p0 $0x0;
	s26 =	sshll.u32 s13, $0x7  }
0x1f: {  	s12 =	sshrl.u32 s12, $0x6;
	[sflag:s11] =	ssyncadd.s32 @!p0 $0xFFFFC000;
	s16 =	sand.u32 $0x3FFFFF80, s26  }
0x20: {  	[tilespmem:s17], [sflag:$0x3] =	stream.indirect.gather [hbm4b:s1+s14], $0x80, s16, s14, $0xb8;
	[tilespmem:$0x1FC00] =	vst v63  }
0x21: {  	s17 =	smul.u32 $0xFFFE7000, s12;
	_ =	swait.ge [sflag:s19], $0x4000  }
0x22: {  	[sflag:s19] =	ssyncset.done $0x0  }
0x23: {  	s13 =	simm.s32 $0x1D00;
	s11 =	sshra.s32 s17, $0x2;
	[sflag:s19] =	ssyncadd.s32 $0xFFFFC000  }
0x24: {  	s17 =	sadd.s32 s11, s29;
	v0 =	vld [tilespmem:s13+$0x80]  }
0x25: {  	v1 =	vld [tilespmem:s17+$0xFFFFFF90]  }
0x26: {  	v2 =	vld [tilespmem:s13+$0xFFFFFF80]  }
0x27: {  	v3 =	vld [tilespmem:s17+$0xFFFFFE90]  }
0x28: {  	v4 =	vld [tilespmem:s13+$0x0]  }
0x29: {  	v5 =	vld [tilespmem:s17+$0xFFFFFF10]  }
0x2a: {  	v6 =	vld [tilespmem:s13+$0xFFFFFF00];
	v0 =	vadd.f32 v1, v0  }
0x2b: {  	v1 =	vld [tilespmem:s17+$0xFFFFFE10]  }
0x2c: {  	[tilespmem:s13+$0x80] =	vst v0;
	v0 =	vld [tilespmem:s13+$0x90]  }
0x2d: {  	v2 =	vadd.f32 v3, v2;
	v3 =	vld [tilespmem:s17+$0xFFFFFFA0]  }
0x2e: {  	v7 =	vld [tilespmem:s13+$0xFFFFFF10]  }
0x2f: {  	[tilespmem:s13+$0xFFFFFF80] =	vst v2;
	v2 =	vadd.f32 v5, v4;
	v4 =	vld [tilespmem:s13+$0xFFFFFF90]  }
0x30: {  	v5 =	vld [tilespmem:s17+$0xFFFFFEA0];
	v1 =	vadd.f32 v1, v6  }
0x31: {  	[tilespmem:s13+$0x0] =	vst v2;
	v2 =	vld [tilespmem:s13+$0x10]  }
0x32: {  	v6 =	vld [tilespmem:s17+$0xFFFFFF20];
	[tilespmem:s13+$0xFFFFFF00] =	vst v1;
	v0 =	vadd.f32 v3, v0  }
0x33: {  	v1 =	vld [tilespmem:s17+$0xFFFFFE20]  }
0x34: {  	[tilespmem:s13+$0x90] =	vst v0;
	v0 =	vld [tilespmem:s13+$0xA0]  }
0x35: {  	v3 =	vadd.f32 v5, v4;
	v4 =	vld [tilespmem:s17+$0xFFFFFFB0]  }
0x36: {  	v5 =	vld [tilespmem:s13+$0xFFFFFF20]  }
0x37: {  	[tilespmem:s13+$0xFFFFFF90] =	vst v3;
	v2 =	vadd.f32 v6, v2;
	v3 =	vld [tilespmem:s13+$0xFFFFFFA0]  }
0x38: {  	v6 =	vld [tilespmem:s17+$0xFFFFFEB0];
	v1 =	vadd.f32 v1, v7  }
0x39: {  	[tilespmem:s13+$0x10] =	vst v2;
	v2 =	vld [tilespmem:s13+$0x20]  }
0x3a: {  	v7 =	vld [tilespmem:s17+$0xFFFFFF30];
	[tilespmem:s13+$0xFFFFFF10] =	vst v1;
	v0 =	vadd.f32 v4, v0  }
0x3b: {  	v1 =	vld [tilespmem:s17+$0xFFFFFE30]  }
0x3c: {  	[tilespmem:s13+$0xA0] =	vst v0;
	v0 =	vld [tilespmem:s13+$0xB0]  }
0x3d: {  	v3 =	vadd.f32 v6, v3;
	v4 =	vld [tilespmem:s17+$0xFFFFFFC0]  }
0x3e: {  	v6 =	vld [tilespmem:s13+$0xFFFFFF30]  }
0x3f: {  	[tilespmem:s13+$0xFFFFFFA0] =	vst v3;
	v2 =	vadd.f32 v7, v2;
	v3 =	vld [tilespmem:s13+$0xFFFFFFB0]  }
0x40: {  	v7 =	vld [tilespmem:s17+$0xFFFFFEC0];
	v1 =	vadd.f32 v1, v5  }
0x41: {  	[tilespmem:s13+$0x20] =	vst v2;
	v2 =	vld [tilespmem:s13+$0x30]  }
0x42: {  	v5 =	vld [tilespmem:s17+$0xFFFFFF40];
	[tilespmem:s13+$0xFFFFFF20] =	vst v1;
	v0 =	vadd.f32 v4, v0  }
0x43: {  	v1 =	vld [tilespmem:s17+$0xFFFFFE40]  }
0x44: {  	[tilespmem:s13+$0xB0] =	vst v0;
	v0 =	vld [tilespmem:s13+$0xC0]  }
0x45: {  	v3 =	vadd.f32 v7, v3;
	v4 =	vld [tilespmem:s17+$0xFFFFFFD0]  }
0x46: {  	v7 =	vld [tilespmem:s13+$0xFFFFFF40]  }
0x47: {  	[tilespmem:s13+$0xFFFFFFB0] =	vst v3;
	v2 =	vadd.f32 v5, v2;
	v3 =	vld [tilespmem:s13+$0xFFFFFFC0]  }
0x48: {  	v5 =	vld [tilespmem:s17+$0xFFFFFED0];
	v1 =	vadd.f32 v1, v6  }
0x49: {  	[tilespmem:s13+$0x30] =	vst v2;
	v2 =	vld [tilespmem:s13+$0x40]  }
0x4a: {  	v6 =	vld [tilespmem:s17+$0xFFFFFF50];
	[tilespmem:s13+$0xFFFFFF30] =	vst v1;
	v0 =	vadd.f32 v4, v0  }
0x4b: {  	v1 =	vld [tilespmem:s17+$0xFFFFFE50]  }
0x4c: {  	[tilespmem:s13+$0xC0] =	vst v0;
	v0 =	vld [tilespmem:s13+$0xD0]  }
0x4d: {  	v3 =	vadd.f32 v5, v3;
	v4 =	vld [tilespmem:s17+$0xFFFFFFE0]  }
0x4e: {  	v5 =	vld [tilespmem:s13+$0xFFFFFF50]  }
0x4f: {  	[tilespmem:s13+$0xFFFFFFC0] =	vst v3;
	v2 =	vadd.f32 v6, v2;
	v3 =	vld [tilespmem:s13+$0xFFFFFFD0]  }
0x50: {  	v6 =	vld [tilespmem:s17+$0xFFFFFEE0];
	v1 =	vadd.f32 v1, v7  }
0x51: {  	[tilespmem:s13+$0x40] =	vst v2;
	v2 =	vld [tilespmem:s13+$0x50]  }
0x52: {  	v7 =	vld [tilespmem:s17+$0xFFFFFF60];
	[tilespmem:s13+$0xFFFFFF40] =	vst v1;
	v0 =	vadd.f32 v4, v0  }
0x53: {  	v1 =	vld [tilespmem:s17+$0xFFFFFE60]  }
0x54: {  	[tilespmem:s13+$0xD0] =	vst v0;
	v0 =	vld [tilespmem:s13+$0xE0]  }
0x55: {  	v3 =	vadd.f32 v6, v3;
	v4 =	vld [tilespmem:s17+$0xFFFFFFF0]  }
0x56: {  	v6 =	vld [tilespmem:s13+$0xFFFFFF60]  }
0x57: {  	[tilespmem:s13+$0xFFFFFFD0] =	vst v3;
	v2 =	vadd.f32 v7, v2;
	v3 =	vld [tilespmem:s13+$0xFFFFFFE0]  }
0x58: {  	v7 =	vld [tilespmem:s17+$0xFFFFFEF0];
	v1 =	vadd.f32 v1, v5  }
0x59: {  	s24 =	smulhi.u32 $0x51EB851F, s7;
	[tilespmem:s13+$0x50] =	vst v2;
	v2 =	vld [tilespmem:s13+$0x60]  }
0x5a: {  	s15 =	smulhi.u32 $0x51EB851F, s2;
	v5 =	vld [tilespmem:s17+$0xFFFFFF70];
	[tilespmem:s13+$0xFFFFFF50] =	vst v1;
	v0 =	vadd.f32 v4, v0  }
0x5b: {  	s25 =	smulhi.u32 $0x51EB851F, s3;
	v4 =	vld [tilespmem:s17+$0xFFFFFE70]  }
0x5c: {  	s15 =	sshrl.u32 s15, $0x6;
	s16 =	smulhi.u32 $0x51EB851F, s8;
	v8 =	vld [tilespmem:s13+$0xF0];
	[tilespmem:s13+$0xE0] =	vst v0  }
0x5d: {  	s15 =	smul.u32 $0xFFFE7000, s15;
	s12 =	sshrl.u32 s25, $0x6;
	v1 =	vadd.f32 v7, v3;
	v7 =	vld [tilespmem:s17+$0x0]  }
0x5e: {  	s12 =	smul.u32 $0xFFFE7000, s12;
	s16 =	sshrl.u32 s16, $0x6;
	v0 =	vld [tilespmem:s13+$0xFFFFFF70]  }
0x5f: {  	s11 =	sshrl.u32 s24, $0x6;
	s16 =	smul.u32 $0xFFFE7000, s16;
	[tilespmem:s13+$0xFFFFFFE0] =	vst v1;
	v2 =	vadd.f32 v5, v2;
	v1 =	vld [tilespmem:s13+$0xFFFFFFF0]  }
0x60: {  	s15 =	sshra.s32 s15, $0x2;
	s12 =	sshra.s32 s12, $0x2;
	s11 =	smul.u32 $0xFFFE7000, s11;
	v3 =	vld [tilespmem:s17+$0xFFFFFF00];
	v4 =	vadd.f32 v4, v6  }
0x61: {  	s25 =	sadd.s32 s12, s0;
	s19 =	sshra.s32 s16, $0x2;
	s16 =	simm.s32 $0x1F00;
	[tilespmem:s13+$0x60] =	vst v2;
	v2 =	vld [tilespmem:s13+$0x70]  }
0x62: {  	s11 =	sshra.s32 s11, $0x2;
	s12 =	sadd.s32 s19, s30;
	s19 =	simm.s32 $0x0;
	[tilespmem:s13+$0xFFFFFF60] =	vst v4;
	v4 =	vld [tilespmem:s17+$0xFFFFFF80];
	v6 =	vadd.f32 v7, v8  }
0x63: {  	s24 =	sadd.s32 s11, s10;
	s11 =	sadd.s32 s15, s31;
	s15 =	smul.u32 $0x280, s23;
	v5 =	vld [tilespmem:s17+$0xFFFFFE80]  }
.LBB2_3:
0x64: {  	v7 =	vld [tilespmem:s16+$0x80];
	[tilespmem:s13+$0xF0] =	vst v6;
	s17 =	sadd.s32 $0x200, s17  }
0x65: {  	s19 =	sadd.s32 $0x4, s19;
	v6 =	vld [tilespmem:s17+$0xFFFFFF90];
	v1 =	vadd.f32 v3, v1  }
0x66: {  	p1 =	slt.u32 s19, $0x7C;
	v3 =	vld [tilespmem:s17+$0xFFFFFE10]  }
0x67: {  	v8 =	vld [tilespmem:s16+$0xFFFFFF80];
	[tilespmem:s13+$0xFFFFFFF0] =	vst v1;
	v1 =	vadd.f32 v4, v2  }
0x68: {  	v2 =	vld [tilespmem:s17+$0xFFFFFE90];
	v0 =	vadd.f32 v5, v0  }
0x69: {  	v4 =	vld [tilespmem:s16+$0x0];
	[tilespmem:s13+$0x70] =	vst v1  }
0x6a: {  	v1 =	vld [tilespmem:s17+$0xFFFFFF10];
	v5 =	vadd.f32 v6, v7;
	[tilespmem:s13+$0xFFFFFF70] =	vst v0;
	s13 =	smov.u32 s16  }
0x6b: {  	v0 =	vld [tilespmem:s16+$0xFFFFFF00]  }
0x6c: {  	[tilespmem:s16+$0x80] =	vst v5;
	v5 =	vld [tilespmem:s16+$0x90]  }
0x6d: {  	v2 =	vadd.f32 v2, v8;
	v6 =	vld [tilespmem:s17+$0xFFFFFFA0]  }
0x6e: {  	v7 =	vld [tilespmem:s16+$0xFFFFFF10]  }
0x6f: {  	[tilespmem:s16+$0xFFFFFF80] =	vst v2;
	v2 =	vld [tilespmem:s16+$0xFFFFFF90];
	v1 =	vadd.f32 v1, v4  }
0x70: {  	v0 =	vadd.f32 v3, v0;
	v3 =	vld [tilespmem:s17+$0xFFFFFEA0]  }
0x71: {  	[tilespmem:s16+$0x0] =	vst v1;
	v1 =	vld [tilespmem:s16+$0x10]  }
0x72: {  	[tilespmem:s16+$0xFFFFFF00] =	vst v0;
	v0 =	vld [tilespmem:s17+$0xFFFFFF20];
	v4 =	vadd.f32 v6, v5  }
0x73: {  	v5 =	vld [tilespmem:s17+$0xFFFFFE20]  }
0x74: {  	[tilespmem:s16+$0x90] =	vst v4;
	v4 =	vld [tilespmem:s16+$0xA0]  }
0x75: {  	v2 =	vadd.f32 v3, v2;
	v3 =	vld [tilespmem:s17+$0xFFFFFFB0]  }
0x76: {  	v6 =	vld [tilespmem:s16+$0xFFFFFF20]  }
0x77: {  	[tilespmem:s16+$0xFFFFFF90] =	vst v2;
	v2 =	vld [tilespmem:s16+$0xFFFFFFA0];
	v0 =	vadd.f32 v0, v1  }
0x78: {  	v1 =	vadd.f32 v5, v7;
	v5 =	vld [tilespmem:s17+$0xFFFFFEB0]  }
0x79: {  	[tilespmem:s16+$0x10] =	vst v0;
	v0 =	vld [tilespmem:s16+$0x20]  }
0x7a: {  	[tilespmem:s16+$0xFFFFFF10] =	vst v1;
	v1 =	vld [tilespmem:s17+$0xFFFFFF30];
	v3 =	vadd.f32 v3, v4  }
0x7b: {  	v4 =	vld [tilespmem:s17+$0xFFFFFE30]  }
0x7c: {  	[tilespmem:s16+$0xA0] =	vst v3;
	v3 =	vld [tilespmem:s16+$0xB0]  }
0x7d: {  	v2 =	vadd.f32 v5, v2;
	v5 =	vld [tilespmem:s17+$0xFFFFFFC0]  }
0x7e: {  	v7 =	vld [tilespmem:s16+$0xFFFFFF30]  }
0x7f: {  	[tilespmem:s16+$0xFFFFFFA0] =	vst v2;
	v2 =	vld [tilespmem:s16+$0xFFFFFFB0];
	v0 =	vadd.f32 v1, v0  }
0x80: {  	v1 =	vadd.f32 v4, v6;
	v4 =	vld [tilespmem:s17+$0xFFFFFEC0]  }
0x81: {  	[tilespmem:s16+$0x20] =	vst v0;
	v0 =	vld [tilespmem:s16+$0x30]  }
0x82: {  	[tilespmem:s16+$0xFFFFFF20] =	vst v1;
	v1 =	vld [tilespmem:s17+$0xFFFFFF40];
	v3 =	vadd.f32 v5, v3  }
0x83: {  	v5 =	vld [tilespmem:s17+$0xFFFFFE40]  }
0x84: {  	[tilespmem:s16+$0xB0] =	vst v3;
	v3 =	vld [tilespmem:s16+$0xC0]  }
0x85: {  	v2 =	vadd.f32 v4, v2;
	v4 =	vld [tilespmem:s17+$0xFFFFFFD0]  }
0x86: {  	v6 =	vld [tilespmem:s16+$0xFFFFFF40]  }
0x87: {  	[tilespmem:s16+$0xFFFFFFB0] =	vst v2;
	v2 =	vld [tilespmem:s16+$0xFFFFFFC0];
	v0 =	vadd.f32 v1, v0  }
0x88: {  	v1 =	vadd.f32 v5, v7;
	v5 =	vld [tilespmem:s17+$0xFFFFFED0]  }
0x89: {  	[tilespmem:s16+$0x30] =	vst v0;
	v0 =	vld [tilespmem:s16+$0x40]  }
0x8a: {  	[tilespmem:s16+$0xFFFFFF30] =	vst v1;
	v1 =	vld [tilespmem:s17+$0xFFFFFF50];
	v3 =	vadd.f32 v4, v3  }
0x8b: {  	v4 =	vld [tilespmem:s17+$0xFFFFFE50]  }
0x8c: {  	[tilespmem:s16+$0xC0] =	vst v3;
	v3 =	vld [tilespmem:s16+$0xD0]  }
0x8d: {  	v2 =	vadd.f32 v5, v2;
	v5 =	vld [tilespmem:s17+$0xFFFFFFE0]  }
0x8e: {  	v7 =	vld [tilespmem:s16+$0xFFFFFF50]  }
0x8f: {  	[tilespmem:s16+$0xFFFFFFC0] =	vst v2;
	v2 =	vld [tilespmem:s16+$0xFFFFFFD0];
	v0 =	vadd.f32 v1, v0  }
0x90: {  	v1 =	vadd.f32 v4, v6;
	v4 =	vld [tilespmem:s17+$0xFFFFFEE0]  }
0x91: {  	[tilespmem:s16+$0x40] =	vst v0;
	v0 =	vld [tilespmem:s16+$0x50]  }
0x92: {  	[tilespmem:s16+$0xFFFFFF40] =	vst v1;
	v1 =	vld [tilespmem:s17+$0xFFFFFF60];
	v3 =	vadd.f32 v5, v3  }
0x93: {  	v5 =	vld [tilespmem:s17+$0xFFFFFE60]  }
0x94: {  	[tilespmem:s16+$0xD0] =	vst v3;
	v3 =	vld [tilespmem:s16+$0xE0]  }
0x95: {  	v2 =	vadd.f32 v4, v2;
	v4 =	vld [tilespmem:s17+$0xFFFFFFF0]  }
0x96: {  	v6 =	vld [tilespmem:s16+$0xFFFFFF60]  }
0x97: {  	[tilespmem:s16+$0xFFFFFFD0] =	vst v2;
	v2 =	vld [tilespmem:s16+$0xFFFFFFE0];
	v0 =	vadd.f32 v1, v0  }
0x98: {  	v1 =	vadd.f32 v5, v7;
	v5 =	vld [tilespmem:s17+$0xFFFFFEF0]  }
0x99: {  	[tilespmem:s16+$0x50] =	vst v0;
	v7 =	vld [tilespmem:s16+$0x60]  }
0x9a: {  	[tilespmem:s16+$0xFFFFFF50] =	vst v1;
	v8 =	vld [tilespmem:s17+$0xFFFFFF70];
	v0 =	vadd.f32 v4, v3  }
0x9b: {  	v3 =	vld [tilespmem:s17+$0xFFFFFE70]  }
0x9c: {  	[tilespmem:s16+$0xE0] =	vst v0;
	v9 =	vld [tilespmem:s16+$0xF0]  }
0x9d: {  	v1 =	vadd.f32 v5, v2;
	v5 =	vld [tilespmem:s17+$0x0]  }
0x9e: {  	v0 =	vld [tilespmem:s16+$0xFFFFFF70]  }
.Ltmp0:
0x9f: {  	[tilespmem:s16+$0xFFFFFFE0] =	vst v1;
	v1 =	vld [tilespmem:s16+$0xFFFFFFF0];
	v2 =	vadd.f32 v8, v7;
	(pc) =	sbr.rel @p1 .LBB2_3-.Ltmp0, $4  }
0xa0: {  	v4 =	vadd.f32 v3, v6;
	v3 =	vld [tilespmem:s17+$0xFFFFFF00]  }
0xa1: {  	[tilespmem:s16+$0x60] =	vst v2;
	v2 =	vld [tilespmem:s16+$0x70]  }
0xa2: {  	[tilespmem:s16+$0xFFFFFF60] =	vst v4;
	v4 =	vld [tilespmem:s17+$0xFFFFFF80];
	v6 =	vadd.f32 v5, v9  }
0xa3: {  	s16 =	sadd.s32 $0x200, s16;
	v5 =	vld [tilespmem:s17+$0xFFFFFE80]  }
0xa4: {  	_ =	sdelay $0x1  }
0xa5: {  	v1 =	vadd.f32 v3, v1  }
0xa6: {  	[tilespmem:s13+$0xF0] =	vst v6;
	v2 =	vadd.f32 v4, v2  }
0xa7: {  	s16 =	sadd.s32 s6, s15;
	[tilespmem:s13+$0xFFFFFFF0] =	vst v1;
	v0 =	vadd.f32 v5, v0  }
0xa8: {  	s16 =	sshll.u32 s16, $0x4;
	[tilespmem:s13+$0x70] =	vst v2  }
0xa9: {  	s19 =	simm.s32 $0x1C00;
	s17 =	sadd.s32 s4, s16;
	s16 =	simm.s32 @!p0 $0x9;
	[tilespmem:s13+$0xFFFFFF70] =	vst v0  }
0xaa: {  	[hbm4b:s17+s5] =	stream.linear.scatter [tilespmem:s19], [sflag:$0x6], $0x4000, $0x38;
	[tilespmem:$0x1FC00] =	vst v63  }
0xab: {  	s17 =	sadd.s32 $0x3, s28;
	_ =	swait.ge @!p0 [sflag:s16], $0x4000  }
0xac: {  	s13 =	sshll.u32 s17, $0x7;
	[sflag:s16] =	ssyncset.done @!p0 $0x0  }
0xad: {  	s17 =	simm.s32 $0xDC00;
	s19 =	sand.u32 $0x3FFFFF80, s13;
	[sflag:s16] =	ssyncadd.s32 @!p0 $0xFFFFC000  }
0xae: {  	[tilespmem:s17], [sflag:$0x4] =	stream.indirect.gather [hbm4b:s1+s14], $0x80, s19, s14, $0xb8;
	[tilespmem:$0x1FC00] =	vst v63  }
0xaf: {  	_ =	swait.ge [sflag:s18], $0x4000  }
0xb0: {  	[sflag:s18] =	ssyncset.done $0x0  }
0xb1: {  	s17 =	simm.s32 $0x5D00;
	[sflag:s18] =	ssyncadd.s32 $0xFFFFC000  }
0xb2: {  	v0 =	vld [tilespmem:s17+$0x80]  }
0xb3: {  	v1 =	vld [tilespmem:s12+$0xFFFFFF90]  }
0xb4: {  	v2 =	vld [tilespmem:s17+$0xFFFFFF80]  }
0xb5: {  	v3 =	vld [tilespmem:s12+$0xFFFFFE90]  }
0xb6: {  	v4 =	vld [tilespmem:s17+$0x0]  }
0xb7: {  	v5 =	vld [tilespmem:s12+$0xFFFFFF10]  }
0xb8: {  	v6 =	vld [tilespmem:s17+$0xFFFFFF00];
	v0 =	vadd.f32 v1, v0  }
0xb9: {  	v1 =	vld [tilespmem:s12+$0xFFFFFE10]  }
0xba: {  	[tilespmem:s17+$0x80] =	vst v0;
	v0 =	vld [tilespmem:s17+$0x90]  }
0xbb: {  	v2 =	vadd.f32 v3, v2;
	v3 =	vld [tilespmem:s12+$0xFFFFFFA0]  }
0xbc: {  	v7 =	vld [tilespmem:s17+$0xFFFFFF10]  }
0xbd: {  	[tilespmem:s17+$0xFFFFFF80] =	vst v2;
	v2 =	vadd.f32 v5, v4;
	v4 =	vld [tilespmem:s17+$0xFFFFFF90]  }
0xbe: {  	v5 =	vld [tilespmem:s12+$0xFFFFFEA0];
	v1 =	vadd.f32 v1, v6  }
0xbf: {  	[tilespmem:s17+$0x0] =	vst v2;
	v2 =	vld [tilespmem:s17+$0x10]  }
0xc0: {  	v6 =	vld [tilespmem:s12+$0xFFFFFF20];
	[tilespmem:s17+$0xFFFFFF00] =	vst v1;
	v0 =	vadd.f32 v3, v0  }
0xc1: {  	v1 =	vld [tilespmem:s12+$0xFFFFFE20]  }
0xc2: {  	[tilespmem:s17+$0x90] =	vst v0;
	v0 =	vld [tilespmem:s17+$0xA0]  }
0xc3: {  	v3 =	vadd.f32 v5, v4;
	v4 =	vld [tilespmem:s12+$0xFFFFFFB0]  }
0xc4: {  	v5 =	vld [tilespmem:s17+$0xFFFFFF20]  }
0xc5: {  	[tilespmem:s17+$0xFFFFFF90] =	vst v3;
	v2 =	vadd.f32 v6, v2;
	v3 =	vld [tilespmem:s17+$0xFFFFFFA0]  }
0xc6: {  	v6 =	vld [tilespmem:s12+$0xFFFFFEB0];
	v1 =	vadd.f32 v1, v7  }
0xc7: {  	[tilespmem:s17+$0x10] =	vst v2;
	v2 =	vld [tilespmem:s17+$0x20]  }
0xc8: {  	v7 =	vld [tilespmem:s12+$0xFFFFFF30];
	[tilespmem:s17+$0xFFFFFF10] =	vst v1;
	v0 =	vadd.f32 v4, v0  }
0xc9: {  	v1 =	vld [tilespmem:s12+$0xFFFFFE30]  }
0xca: {  	[tilespmem:s17+$0xA0] =	vst v0;
	v0 =	vld [tilespmem:s17+$0xB0]  }
0xcb: {  	v3 =	vadd.f32 v6, v3;
	v4 =	vld [tilespmem:s12+$0xFFFFFFC0]  }
0xcc: {  	v6 =	vld [tilespmem:s17+$0xFFFFFF30]  }
0xcd: {  	[tilespmem:s17+$0xFFFFFFA0] =	vst v3;
	v2 =	vadd.f32 v7, v2;
	v3 =	vld [tilespmem:s17+$0xFFFFFFB0]  }
0xce: {  	v7 =	vld [tilespmem:s12+$0xFFFFFEC0];
	v1 =	vadd.f32 v1, v5  }
0xcf: {  	[tilespmem:s17+$0x20] =	vst v2;
	v2 =	vld [tilespmem:s17+$0x30]  }
0xd0: {  	v5 =	vld [tilespmem:s12+$0xFFFFFF40];
	[tilespmem:s17+$0xFFFFFF20] =	vst v1;
	v0 =	vadd.f32 v4, v0  }
0xd1: {  	v1 =	vld [tilespmem:s12+$0xFFFFFE40]  }
0xd2: {  	[tilespmem:s17+$0xB0] =	vst v0;
	v0 =	vld [tilespmem:s17+$0xC0]  }
0xd3: {  	v3 =	vadd.f32 v7, v3;
	v4 =	vld [tilespmem:s12+$0xFFFFFFD0]  }
0xd4: {  	v7 =	vld [tilespmem:s17+$0xFFFFFF40]  }
0xd5: {  	[tilespmem:s17+$0xFFFFFFB0] =	vst v3;
	v2 =	vadd.f32 v5, v2;
	v3 =	vld [tilespmem:s17+$0xFFFFFFC0]  }
0xd6: {  	v5 =	vld [tilespmem:s12+$0xFFFFFED0];
	v1 =	vadd.f32 v1, v6  }
0xd7: {  	[tilespmem:s17+$0x30] =	vst v2;
	v2 =	vld [tilespmem:s17+$0x40]  }
0xd8: {  	v6 =	vld [tilespmem:s12+$0xFFFFFF50];
	[tilespmem:s17+$0xFFFFFF30] =	vst v1;
	v0 =	vadd.f32 v4, v0  }
0xd9: {  	v1 =	vld [tilespmem:s12+$0xFFFFFE50]  }
0xda: {  	[tilespmem:s17+$0xC0] =	vst v0;
	v0 =	vld [tilespmem:s17+$0xD0]  }
0xdb: {  	v3 =	vadd.f32 v5, v3;
	v4 =	vld [tilespmem:s12+$0xFFFFFFE0]  }
0xdc: {  	v5 =	vld [tilespmem:s17+$0xFFFFFF50]  }
0xdd: {  	[tilespmem:s17+$0xFFFFFFC0] =	vst v3;
	v2 =	vadd.f32 v6, v2;
	v3 =	vld [tilespmem:s17+$0xFFFFFFD0]  }
0xde: {  	v6 =	vld [tilespmem:s12+$0xFFFFFEE0];
	v1 =	vadd.f32 v1, v7  }
0xdf: {  	[tilespmem:s17+$0x40] =	vst v2;
	v2 =	vld [tilespmem:s17+$0x50]  }
0xe0: {  	v7 =	vld [tilespmem:s12+$0xFFFFFF60];
	[tilespmem:s17+$0xFFFFFF40] =	vst v1;
	v0 =	vadd.f32 v4, v0  }
0xe1: {  	v1 =	vld [tilespmem:s12+$0xFFFFFE60]  }
0xe2: {  	[tilespmem:s17+$0xD0] =	vst v0;
	v0 =	vld [tilespmem:s17+$0xE0]  }
0xe3: {  	v3 =	vadd.f32 v6, v3;
	v4 =	vld [tilespmem:s12+$0xFFFFFFF0]  }
0xe4: {  	v6 =	vld [tilespmem:s17+$0xFFFFFF60]  }
0xe5: {  	[tilespmem:s17+$0xFFFFFFD0] =	vst v3;
	v2 =	vadd.f32 v7, v2;
	v3 =	vld [tilespmem:s17+$0xFFFFFFE0]  }
0xe6: {  	v7 =	vld [tilespmem:s12+$0xFFFFFEF0];
	v1 =	vadd.f32 v1, v5  }
0xe7: {  	[tilespmem:s17+$0x50] =	vst v2;
	v2 =	vld [tilespmem:s17+$0x60]  }
0xe8: {  	v5 =	vld [tilespmem:s12+$0xFFFFFF70];
	[tilespmem:s17+$0xFFFFFF50] =	vst v1;
	v0 =	vadd.f32 v4, v0  }
0xe9: {  	v4 =	vld [tilespmem:s12+$0xFFFFFE70]  }
0xea: {  	v8 =	vld [tilespmem:s17+$0xF0];
	[tilespmem:s17+$0xE0] =	vst v0  }
0xeb: {  	v1 =	vadd.f32 v7, v3;
	v7 =	vld [tilespmem:s12+$0x0]  }
0xec: {  	v0 =	vld [tilespmem:s17+$0xFFFFFF70]  }
0xed: {  	[tilespmem:s17+$0xFFFFFFE0] =	vst v1;
	v2 =	vadd.f32 v5, v2;
	v1 =	vld [tilespmem:s17+$0xFFFFFFF0]  }
0xee: {  	v3 =	vld [tilespmem:s12+$0xFFFFFF00];
	v4 =	vadd.f32 v4, v6  }
0xef: {  	[tilespmem:s17+$0x60] =	vst v2;
	v2 =	vld [tilespmem:s17+$0x70]  }
0xf0: {  	[tilespmem:s17+$0xFFFFFF60] =	vst v4;
	v4 =	vld [tilespmem:s12+$0xFFFFFF80];
	v6 =	vadd.f32 v7, v8  }
0xf1: {  	s15 =	sadd.s32 $0x80, s15;
	s16 =	simm.s32 $0x5F00;
	s19 =	simm.s32 $0x0;
	v5 =	vld [tilespmem:s12+$0xFFFFFE80]  }
.LBB2_5:
0xf2: {  	v7 =	vld [tilespmem:s16+$0x80];
	[tilespmem:s17+$0xF0] =	vst v6;
	s12 =	sadd.s32 $0x200, s12  }
0xf3: {  	s19 =	sadd.s32 $0x4, s19;
	v6 =	vld [tilespmem:s12+$0xFFFFFF90];
	v1 =	vadd.f32 v3, v1  }
0xf4: {  	p1 =	slt.u32 s19, $0x7C;
	v3 =	vld [tilespmem:s12+$0xFFFFFE10]  }
0xf5: {  	v8 =	vld [tilespmem:s16+$0xFFFFFF80];
	[tilespmem:s17+$0xFFFFFFF0] =	vst v1;
	v1 =	vadd.f32 v4, v2  }
0xf6: {  	v2 =	vld [tilespmem:s12+$0xFFFFFE90];
	v0 =	vadd.f32 v5, v0  }
0xf7: {  	v4 =	vld [tilespmem:s16+$0x0];
	[tilespmem:s17+$0x70] =	vst v1  }
0xf8: {  	v1 =	vld [tilespmem:s12+$0xFFFFFF10];
	v5 =	vadd.f32 v6, v7;
	[tilespmem:s17+$0xFFFFFF70] =	vst v0;
	s17 =	smov.u32 s16  }
0xf9: {  	v0 =	vld [tilespmem:s16+$0xFFFFFF00]  }
0xfa: {  	[tilespmem:s16+$0x80] =	vst v5;
	v5 =	vld [tilespmem:s16+$0x90]  }
0xfb: {  	v2 =	vadd.f32 v2, v8;
	v6 =	vld [tilespmem:s12+$0xFFFFFFA0]  }
0xfc: {  	v7 =	vld [tilespmem:s16+$0xFFFFFF10]  }
0xfd: {  	[tilespmem:s16+$0xFFFFFF80] =	vst v2;
	v2 =	vld [tilespmem:s16+$0xFFFFFF90];
	v1 =	vadd.f32 v1, v4  }
0xfe: {  	v0 =	vadd.f32 v3, v0;
	v3 =	vld [tilespmem:s12+$0xFFFFFEA0]  }
0xff: {  	[tilespmem:s16+$0x0] =	vst v1;
	v1 =	vld [tilespmem:s16+$0x10]  }
0x100: {  	[tilespmem:s16+$0xFFFFFF00] =	vst v0;
	v0 =	vld [tilespmem:s12+$0xFFFFFF20];
	v4 =	vadd.f32 v6, v5  }
0x101: {  	v5 =	vld [tilespmem:s12+$0xFFFFFE20]  }
0x102: {  	[tilespmem:s16+$0x90] =	vst v4;
	v4 =	vld [tilespmem:s16+$0xA0]  }
0x103: {  	v2 =	vadd.f32 v3, v2;
	v3 =	vld [tilespmem:s12+$0xFFFFFFB0]  }
0x104: {  	v6 =	vld [tilespmem:s16+$0xFFFFFF20]  }
0x105: {  	[tilespmem:s16+$0xFFFFFF90] =	vst v2;
	v2 =	vld [tilespmem:s16+$0xFFFFFFA0];
	v0 =	vadd.f32 v0, v1  }
0x106: {  	v1 =	vadd.f32 v5, v7;
	v5 =	vld [tilespmem:s12+$0xFFFFFEB0]  }
0x107: {  	[tilespmem:s16+$0x10] =	vst v0;
	v0 =	vld [tilespmem:s16+$0x20]  }
0x108: {  	[tilespmem:s16+$0xFFFFFF10] =	vst v1;
	v1 =	vld [tilespmem:s12+$0xFFFFFF30];
	v3 =	vadd.f32 v3, v4  }
0x109: {  	v4 =	vld [tilespmem:s12+$0xFFFFFE30]  }
0x10a: {  	[tilespmem:s16+$0xA0] =	vst v3;
	v3 =	vld [tilespmem:s16+$0xB0]  }
0x10b: {  	v2 =	vadd.f32 v5, v2;
	v5 =	vld [tilespmem:s12+$0xFFFFFFC0]  }
0x10c: {  	v7 =	vld [tilespmem:s16+$0xFFFFFF30]  }
0x10d: {  	[tilespmem:s16+$0xFFFFFFA0] =	vst v2;
	v2 =	vld [tilespmem:s16+$0xFFFFFFB0];
	v0 =	vadd.f32 v1, v0  }
0x10e: {  	v1 =	vadd.f32 v4, v6;
	v4 =	vld [tilespmem:s12+$0xFFFFFEC0]  }
0x10f: {  	[tilespmem:s16+$0x20] =	vst v0;
	v0 =	vld [tilespmem:s16+$0x30]  }
0x110: {  	[tilespmem:s16+$0xFFFFFF20] =	vst v1;
	v1 =	vld [tilespmem:s12+$0xFFFFFF40];
	v3 =	vadd.f32 v5, v3  }
0x111: {  	v5 =	vld [tilespmem:s12+$0xFFFFFE40]  }
0x112: {  	[tilespmem:s16+$0xB0] =	vst v3;
	v3 =	vld [tilespmem:s16+$0xC0]  }
0x113: {  	v2 =	vadd.f32 v4, v2;
	v4 =	vld [tilespmem:s12+$0xFFFFFFD0]  }
0x114: {  	v6 =	vld [tilespmem:s16+$0xFFFFFF40]  }
0x115: {  	[tilespmem:s16+$0xFFFFFFB0] =	vst v2;
	v2 =	vld [tilespmem:s16+$0xFFFFFFC0];
	v0 =	vadd.f32 v1, v0  }
0x116: {  	v1 =	vadd.f32 v5, v7;
	v5 =	vld [tilespmem:s12+$0xFFFFFED0]  }
0x117: {  	[tilespmem:s16+$0x30] =	vst v0;
	v0 =	vld [tilespmem:s16+$0x40]  }
0x118: {  	[tilespmem:s16+$0xFFFFFF30] =	vst v1;
	v1 =	vld [tilespmem:s12+$0xFFFFFF50];
	v3 =	vadd.f32 v4, v3  }
0x119: {  	v4 =	vld [tilespmem:s12+$0xFFFFFE50]  }
0x11a: {  	[tilespmem:s16+$0xC0] =	vst v3;
	v3 =	vld [tilespmem:s16+$0xD0]  }
0x11b: {  	v2 =	vadd.f32 v5, v2;
	v5 =	vld [tilespmem:s12+$0xFFFFFFE0]  }
0x11c: {  	v7 =	vld [tilespmem:s16+$0xFFFFFF50]  }
0x11d: {  	[tilespmem:s16+$0xFFFFFFC0] =	vst v2;
	v2 =	vld [tilespmem:s16+$0xFFFFFFD0];
	v0 =	vadd.f32 v1, v0  }
0x11e: {  	v1 =	vadd.f32 v4, v6;
	v4 =	vld [tilespmem:s12+$0xFFFFFEE0]  }
0x11f: {  	[tilespmem:s16+$0x40] =	vst v0;
	v0 =	vld [tilespmem:s16+$0x50]  }
0x120: {  	[tilespmem:s16+$0xFFFFFF40] =	vst v1;
	v1 =	vld [tilespmem:s12+$0xFFFFFF60];
	v3 =	vadd.f32 v5, v3  }
0x121: {  	v5 =	vld [tilespmem:s12+$0xFFFFFE60]  }
0x122: {  	[tilespmem:s16+$0xD0] =	vst v3;
	v3 =	vld [tilespmem:s16+$0xE0]  }
0x123: {  	v2 =	vadd.f32 v4, v2;
	v4 =	vld [tilespmem:s12+$0xFFFFFFF0]  }
0x124: {  	v6 =	vld [tilespmem:s16+$0xFFFFFF60]  }
0x125: {  	[tilespmem:s16+$0xFFFFFFD0] =	vst v2;
	v2 =	vld [tilespmem:s16+$0xFFFFFFE0];
	v0 =	vadd.f32 v1, v0  }
0x126: {  	v1 =	vadd.f32 v5, v7;
	v5 =	vld [tilespmem:s12+$0xFFFFFEF0]  }
0x127: {  	[tilespmem:s16+$0x50] =	vst v0;
	v7 =	vld [tilespmem:s16+$0x60]  }
0x128: {  	[tilespmem:s16+$0xFFFFFF50] =	vst v1;
	v8 =	vld [tilespmem:s12+$0xFFFFFF70];
	v0 =	vadd.f32 v4, v3  }
0x129: {  	v3 =	vld [tilespmem:s12+$0xFFFFFE70]  }
0x12a: {  	[tilespmem:s16+$0xE0] =	vst v0;
	v9 =	vld [tilespmem:s16+$0xF0]  }
0x12b: {  	v1 =	vadd.f32 v5, v2;
	v5 =	vld [tilespmem:s12+$0x0]  }
0x12c: {  	v0 =	vld [tilespmem:s16+$0xFFFFFF70]  }
.Ltmp1:
0x12d: {  	[tilespmem:s16+$0xFFFFFFE0] =	vst v1;
	v1 =	vld [tilespmem:s16+$0xFFFFFFF0];
	v2 =	vadd.f32 v8, v7;
	(pc) =	sbr.rel @p1 .LBB2_5-.Ltmp1, $4  }
0x12e: {  	v4 =	vadd.f32 v3, v6;
	v3 =	vld [tilespmem:s12+$0xFFFFFF00]  }
0x12f: {  	[tilespmem:s16+$0x60] =	vst v2;
	v2 =	vld [tilespmem:s16+$0x70]  }
0x130: {  	[tilespmem:s16+$0xFFFFFF60] =	vst v4;
	v4 =	vld [tilespmem:s12+$0xFFFFFF80];
	v6 =	vadd.f32 v5, v9  }
0x131: {  	s16 =	sadd.s32 $0x200, s16;
	v5 =	vld [tilespmem:s12+$0xFFFFFE80]  }
0x132: {  	_ =	sdelay $0x1  }
0x133: {  	v1 =	vadd.f32 v3, v1  }
0x134: {  	[tilespmem:s17+$0xF0] =	vst v6;
	v2 =	vadd.f32 v4, v2  }
0x135: {  	s12 =	sadd.s32 s6, s15;
	[tilespmem:s17+$0xFFFFFFF0] =	vst v1;
	v0 =	vadd.f32 v5, v0  }
0x136: {  	s12 =	sshll.u32 s12, $0x4;
	[tilespmem:s17+$0x70] =	vst v2  }
0x137: {  	s19 =	simm.s32 $0x5C00;
	s12 =	sadd.s32 s4, s12;
	[tilespmem:s17+$0xFFFFFF70] =	vst v0  }
0x138: {  	[hbm4b:s12+s5] =	stream.linear.scatter [tilespmem:s19], [sflag:$0x7], $0x4000, $0x38;
	[tilespmem:$0x1FC00] =	vst v63  }
0x139: {  	s12 =	simm.s32 @!p0 $0xA  }
0x13a: {  	s16 =	sadd.s32 $0x4, s28;
	_ =	swait.ge @!p0 [sflag:s12], $0x4000  }
0x13b: {  	s28 =	sshll.u32 s16, $0x7;
	[sflag:s12] =	ssyncset.done @!p0 $0x0  }
0x13c: {  	s17 =	sand.u32 $0x3FFFFF80, s28;
	s19 =	simm.s32 $0x11C00;
	[sflag:s12] =	ssyncadd.s32 @!p0 $0xFFFFC000  }
0x13d: {  	[tilespmem:s19], [sflag:$0x5] =	stream.indirect.gather [hbm4b:s1+s14], $0x80, s17, s14, $0xb8;
	[tilespmem:$0x1FC00] =	vst v63  }
0x13e: {  	_ =	swait.ge [sflag:s20], $0x4000  }
0x13f: {  	[sflag:s20] =	ssyncset.done $0x0  }
0x140: {  	s12 =	simm.s32 $0x9D00;
	[sflag:s20] =	ssyncadd.s32 $0xFFFFC000  }
0x141: {  	v0 =	vld [tilespmem:s12+$0x80]  }
0x142: {  	v1 =	vld [tilespmem:s11+$0xFFFFFF90]  }
0x143: {  	v2 =	vld [tilespmem:s12+$0xFFFFFF80]  }
0x144: {  	v3 =	vld [tilespmem:s11+$0xFFFFFE90]  }
0x145: {  	v4 =	vld [tilespmem:s12+$0x0]  }
0x146: {  	v5 =	vld [tilespmem:s11+$0xFFFFFF10]  }
0x147: {  	v6 =	vld [tilespmem:s12+$0xFFFFFF00];
	v0 =	vadd.f32 v1, v0  }
0x148: {  	v1 =	vld [tilespmem:s11+$0xFFFFFE10]  }
0x149: {  	[tilespmem:s12+$0x80] =	vst v0;
	v0 =	vld [tilespmem:s12+$0x90]  }
0x14a: {  	v2 =	vadd.f32 v3, v2;
	v3 =	vld [tilespmem:s11+$0xFFFFFFA0]  }
0x14b: {  	v7 =	vld [tilespmem:s12+$0xFFFFFF10]  }
0x14c: {  	[tilespmem:s12+$0xFFFFFF80] =	vst v2;
	v2 =	vadd.f32 v5, v4;
	v4 =	vld [tilespmem:s12+$0xFFFFFF90]  }
0x14d: {  	v5 =	vld [tilespmem:s11+$0xFFFFFEA0];
	v1 =	vadd.f32 v1, v6  }
0x14e: {  	[tilespmem:s12+$0x0] =	vst v2;
	v2 =	vld [tilespmem:s12+$0x10]  }
0x14f: {  	v6 =	vld [tilespmem:s11+$0xFFFFFF20];
	[tilespmem:s12+$0xFFFFFF00] =	vst v1;
	v0 =	vadd.f32 v3, v0  }
0x150: {  	v1 =	vld [tilespmem:s11+$0xFFFFFE20]  }
0x151: {  	[tilespmem:s12+$0x90] =	vst v0;
	v0 =	vld [tilespmem:s12+$0xA0]  }
0x152: {  	v3 =	vadd.f32 v5, v4;
	v4 =	vld [tilespmem:s11+$0xFFFFFFB0]  }
0x153: {  	v5 =	vld [tilespmem:s12+$0xFFFFFF20]  }
0x154: {  	[tilespmem:s12+$0xFFFFFF90] =	vst v3;
	v2 =	vadd.f32 v6, v2;
	v3 =	vld [tilespmem:s12+$0xFFFFFFA0]  }
0x155: {  	v6 =	vld [tilespmem:s11+$0xFFFFFEB0];
	v1 =	vadd.f32 v1, v7  }
0x156: {  	[tilespmem:s12+$0x10] =	vst v2;
	v2 =	vld [tilespmem:s12+$0x20]  }
0x157: {  	v7 =	vld [tilespmem:s11+$0xFFFFFF30];
	[tilespmem:s12+$0xFFFFFF10] =	vst v1;
	v0 =	vadd.f32 v4, v0  }
0x158: {  	v1 =	vld [tilespmem:s11+$0xFFFFFE30]  }
0x159: {  	[tilespmem:s12+$0xA0] =	vst v0;
	v0 =	vld [tilespmem:s12+$0xB0]  }
0x15a: {  	v3 =	vadd.f32 v6, v3;
	v4 =	vld [tilespmem:s11+$0xFFFFFFC0]  }
0x15b: {  	v6 =	vld [tilespmem:s12+$0xFFFFFF30]  }
0x15c: {  	[tilespmem:s12+$0xFFFFFFA0] =	vst v3;
	v2 =	vadd.f32 v7, v2;
	v3 =	vld [tilespmem:s12+$0xFFFFFFB0]  }
0x15d: {  	v7 =	vld [tilespmem:s11+$0xFFFFFEC0];
	v1 =	vadd.f32 v1, v5  }
0x15e: {  	[tilespmem:s12+$0x20] =	vst v2;
	v2 =	vld [tilespmem:s12+$0x30]  }
0x15f: {  	v5 =	vld [tilespmem:s11+$0xFFFFFF40];
	[tilespmem:s12+$0xFFFFFF20] =	vst v1;
	v0 =	vadd.f32 v4, v0  }
0x160: {  	v1 =	vld [tilespmem:s11+$0xFFFFFE40]  }
0x161: {  	[tilespmem:s12+$0xB0] =	vst v0;
	v0 =	vld [tilespmem:s12+$0xC0]  }
0x162: {  	v3 =	vadd.f32 v7, v3;
	v4 =	vld [tilespmem:s11+$0xFFFFFFD0]  }
0x163: {  	v7 =	vld [tilespmem:s12+$0xFFFFFF40]  }
0x164: {  	[tilespmem:s12+$0xFFFFFFB0] =	vst v3;
	v2 =	vadd.f32 v5, v2;
	v3 =	vld [tilespmem:s12+$0xFFFFFFC0]  }
0x165: {  	v5 =	vld [tilespmem:s11+$0xFFFFFED0];
	v1 =	vadd.f32 v1, v6  }
0x166: {  	[tilespmem:s12+$0x30] =	vst v2;
	v2 =	vld [tilespmem:s12+$0x40]  }
0x167: {  	v6 =	vld [tilespmem:s11+$0xFFFFFF50];
	[tilespmem:s12+$0xFFFFFF30] =	vst v1;
	v0 =	vadd.f32 v4, v0  }
0x168: {  	v1 =	vld [tilespmem:s11+$0xFFFFFE50]  }
0x169: {  	[tilespmem:s12+$0xC0] =	vst v0;
	v0 =	vld [tilespmem:s12+$0xD0]  }
0x16a: {  	v3 =	vadd.f32 v5, v3;
	v4 =	vld [tilespmem:s11+$0xFFFFFFE0]  }
0x16b: {  	v5 =	vld [tilespmem:s12+$0xFFFFFF50]  }
0x16c: {  	[tilespmem:s12+$0xFFFFFFC0] =	vst v3;
	v2 =	vadd.f32 v6, v2;
	v3 =	vld [tilespmem:s12+$0xFFFFFFD0]  }
0x16d: {  	v6 =	vld [tilespmem:s11+$0xFFFFFEE0];
	v1 =	vadd.f32 v1, v7  }
0x16e: {  	[tilespmem:s12+$0x40] =	vst v2;
	v2 =	vld [tilespmem:s12+$0x50]  }
0x16f: {  	v7 =	vld [tilespmem:s11+$0xFFFFFF60];
	[tilespmem:s12+$0xFFFFFF40] =	vst v1;
	v0 =	vadd.f32 v4, v0  }
0x170: {  	v1 =	vld [tilespmem:s11+$0xFFFFFE60]  }
0x171: {  	[tilespmem:s12+$0xD0] =	vst v0;
	v0 =	vld [tilespmem:s12+$0xE0]  }
0x172: {  	v3 =	vadd.f32 v6, v3;
	v4 =	vld [tilespmem:s11+$0xFFFFFFF0]  }
0x173: {  	v6 =	vld [tilespmem:s12+$0xFFFFFF60]  }
0x174: {  	[tilespmem:s12+$0xFFFFFFD0] =	vst v3;
	v2 =	vadd.f32 v7, v2;
	v3 =	vld [tilespmem:s12+$0xFFFFFFE0]  }
0x175: {  	v7 =	vld [tilespmem:s11+$0xFFFFFEF0];
	v1 =	vadd.f32 v1, v5  }
0x176: {  	[tilespmem:s12+$0x50] =	vst v2;
	v2 =	vld [tilespmem:s12+$0x60]  }
0x177: {  	v5 =	vld [tilespmem:s11+$0xFFFFFF70];
	[tilespmem:s12+$0xFFFFFF50] =	vst v1;
	v0 =	vadd.f32 v4, v0  }
0x178: {  	v4 =	vld [tilespmem:s11+$0xFFFFFE70]  }
0x179: {  	v8 =	vld [tilespmem:s12+$0xF0];
	[tilespmem:s12+$0xE0] =	vst v0  }
0x17a: {  	v1 =	vadd.f32 v7, v3;
	v7 =	vld [tilespmem:s11+$0x0]  }
0x17b: {  	v0 =	vld [tilespmem:s12+$0xFFFFFF70]  }
0x17c: {  	[tilespmem:s12+$0xFFFFFFE0] =	vst v1;
	v2 =	vadd.f32 v5, v2;
	v1 =	vld [tilespmem:s12+$0xFFFFFFF0]  }
0x17d: {  	v3 =	vld [tilespmem:s11+$0xFFFFFF00];
	v4 =	vadd.f32 v4, v6  }
0x17e: {  	[tilespmem:s12+$0x60] =	vst v2;
	v2 =	vld [tilespmem:s12+$0x70]  }
0x17f: {  	[tilespmem:s12+$0xFFFFFF60] =	vst v4;
	v4 =	vld [tilespmem:s11+$0xFFFFFF80];
	v6 =	vadd.f32 v7, v8  }
0x180: {  	s15 =	simm.s32 $0x0;
	s16 =	simm.s32 $0x9F00;
	v5 =	vld [tilespmem:s11+$0xFFFFFE80]  }
.LBB2_7:
0x181: {  	v7 =	vld [tilespmem:s16+$0x80];
	[tilespmem:s12+$0xF0] =	vst v6;
	s11 =	sadd.s32 $0x200, s11  }
0x182: {  	s15 =	sadd.s32 $0x4, s15;
	v6 =	vld [tilespmem:s11+$0xFFFFFF90];
	v1 =	vadd.f32 v3, v1  }
0x183: {  	p0 =	slt.u32 s15, $0x7C;
	v3 =	vld [tilespmem:s11+$0xFFFFFE10]  }
0x184: {  	v8 =	vld [tilespmem:s16+$0xFFFFFF80];
	[tilespmem:s12+$0xFFFFFFF0] =	vst v1;
	v1 =	vadd.f32 v4, v2  }
0x185: {  	v2 =	vld [tilespmem:s11+$0xFFFFFE90];
	v0 =	vadd.f32 v5, v0  }
0x186: {  	v4 =	vld [tilespmem:s16+$0x0];
	[tilespmem:s12+$0x70] =	vst v1  }
0x187: {  	v1 =	vld [tilespmem:s11+$0xFFFFFF10];
	v5 =	vadd.f32 v6, v7;
	[tilespmem:s12+$0xFFFFFF70] =	vst v0;
	s12 =	smov.u32 s16  }
0x188: {  	v0 =	vld [tilespmem:s16+$0xFFFFFF00]  }
0x189: {  	[tilespmem:s16+$0x80] =	vst v5;
	v5 =	vld [tilespmem:s16+$0x90]  }
0x18a: {  	v2 =	vadd.f32 v2, v8;
	v6 =	vld [tilespmem:s11+$0xFFFFFFA0]  }
0x18b: {  	v7 =	vld [tilespmem:s16+$0xFFFFFF10]  }
0x18c: {  	[tilespmem:s16+$0xFFFFFF80] =	vst v2;
	v2 =	vld [tilespmem:s16+$0xFFFFFF90];
	v1 =	vadd.f32 v1, v4  }
0x18d: {  	v0 =	vadd.f32 v3, v0;
	v3 =	vld [tilespmem:s11+$0xFFFFFEA0]  }
0x18e: {  	[tilespmem:s16+$0x0] =	vst v1;
	v1 =	vld [tilespmem:s16+$0x10]  }
0x18f: {  	[tilespmem:s16+$0xFFFFFF00] =	vst v0;
	v0 =	vld [tilespmem:s11+$0xFFFFFF20];
	v4 =	vadd.f32 v6, v5  }
0x190: {  	v5 =	vld [tilespmem:s11+$0xFFFFFE20]  }
0x191: {  	[tilespmem:s16+$0x90] =	vst v4;
	v4 =	vld [tilespmem:s16+$0xA0]  }
0x192: {  	v2 =	vadd.f32 v3, v2;
	v3 =	vld [tilespmem:s11+$0xFFFFFFB0]  }
0x193: {  	v6 =	vld [tilespmem:s16+$0xFFFFFF20]  }
0x194: {  	[tilespmem:s16+$0xFFFFFF90] =	vst v2;
	v2 =	vld [tilespmem:s16+$0xFFFFFFA0];
	v0 =	vadd.f32 v0, v1  }
0x195: {  	v1 =	vadd.f32 v5, v7;
	v5 =	vld [tilespmem:s11+$0xFFFFFEB0]  }
0x196: {  	[tilespmem:s16+$0x10] =	vst v0;
	v0 =	vld [tilespmem:s16+$0x20]  }
0x197: {  	[tilespmem:s16+$0xFFFFFF10] =	vst v1;
	v1 =	vld [tilespmem:s11+$0xFFFFFF30];
	v3 =	vadd.f32 v3, v4  }
0x198: {  	v4 =	vld [tilespmem:s11+$0xFFFFFE30]  }
0x199: {  	[tilespmem:s16+$0xA0] =	vst v3;
	v3 =	vld [tilespmem:s16+$0xB0]  }
0x19a: {  	v2 =	vadd.f32 v5, v2;
	v5 =	vld [tilespmem:s11+$0xFFFFFFC0]  }
0x19b: {  	v7 =	vld [tilespmem:s16+$0xFFFFFF30]  }
0x19c: {  	[tilespmem:s16+$0xFFFFFFA0] =	vst v2;
	v2 =	vld [tilespmem:s16+$0xFFFFFFB0];
	v0 =	vadd.f32 v1, v0  }
0x19d: {  	v1 =	vadd.f32 v4, v6;
	v4 =	vld [tilespmem:s11+$0xFFFFFEC0]  }
0x19e: {  	[tilespmem:s16+$0x20] =	vst v0;
	v0 =	vld [tilespmem:s16+$0x30]  }
0x19f: {  	[tilespmem:s16+$0xFFFFFF20] =	vst v1;
	v1 =	vld [tilespmem:s11+$0xFFFFFF40];
	v3 =	vadd.f32 v5, v3  }
0x1a0: {  	v5 =	vld [tilespmem:s11+$0xFFFFFE40]  }
0x1a1: {  	[tilespmem:s16+$0xB0] =	vst v3;
	v3 =	vld [tilespmem:s16+$0xC0]  }
0x1a2: {  	v2 =	vadd.f32 v4, v2;
	v4 =	vld [tilespmem:s11+$0xFFFFFFD0]  }
0x1a3: {  	v6 =	vld [tilespmem:s16+$0xFFFFFF40]  }
0x1a4: {  	[tilespmem:s16+$0xFFFFFFB0] =	vst v2;
	v2 =	vld [tilespmem:s16+$0xFFFFFFC0];
	v0 =	vadd.f32 v1, v0  }
0x1a5: {  	v1 =	vadd.f32 v5, v7;
	v5 =	vld [tilespmem:s11+$0xFFFFFED0]  }
0x1a6: {  	[tilespmem:s16+$0x30] =	vst v0;
	v0 =	vld [tilespmem:s16+$0x40]  }
0x1a7: {  	[tilespmem:s16+$0xFFFFFF30] =	vst v1;
	v1 =	vld [tilespmem:s11+$0xFFFFFF50];
	v3 =	vadd.f32 v4, v3  }
0x1a8: {  	v4 =	vld [tilespmem:s11+$0xFFFFFE50]  }
0x1a9: {  	[tilespmem:s16+$0xC0] =	vst v3;
	v3 =	vld [tilespmem:s16+$0xD0]  }
0x1aa: {  	v2 =	vadd.f32 v5, v2;
	v5 =	vld [tilespmem:s11+$0xFFFFFFE0]  }
0x1ab: {  	v7 =	vld [tilespmem:s16+$0xFFFFFF50]  }
0x1ac: {  	[tilespmem:s16+$0xFFFFFFC0] =	vst v2;
	v2 =	vld [tilespmem:s16+$0xFFFFFFD0];
	v0 =	vadd.f32 v1, v0  }
0x1ad: {  	v1 =	vadd.f32 v4, v6;
	v4 =	vld [tilespmem:s11+$0xFFFFFEE0]  }
0x1ae: {  	[tilespmem:s16+$0x40] =	vst v0;
	v0 =	vld [tilespmem:s16+$0x50]  }
0x1af: {  	[tilespmem:s16+$0xFFFFFF40] =	vst v1;
	v1 =	vld [tilespmem:s11+$0xFFFFFF60];
	v3 =	vadd.f32 v5, v3  }
0x1b0: {  	v5 =	vld [tilespmem:s11+$0xFFFFFE60]  }
0x1b1: {  	[tilespmem:s16+$0xD0] =	vst v3;
	v3 =	vld [tilespmem:s16+$0xE0]  }
0x1b2: {  	v2 =	vadd.f32 v4, v2;
	v4 =	vld [tilespmem:s11+$0xFFFFFFF0]  }
0x1b3: {  	v6 =	vld [tilespmem:s16+$0xFFFFFF60]  }
0x1b4: {  	[tilespmem:s16+$0xFFFFFFD0] =	vst v2;
	v2 =	vld [tilespmem:s16+$0xFFFFFFE0];
	v0 =	vadd.f32 v1, v0  }
0x1b5: {  	v1 =	vadd.f32 v5, v7;
	v5 =	vld [tilespmem:s11+$0xFFFFFEF0]  }
0x1b6: {  	[tilespmem:s16+$0x50] =	vst v0;
	v7 =	vld [tilespmem:s16+$0x60]  }
0x1b7: {  	[tilespmem:s16+$0xFFFFFF50] =	vst v1;
	v8 =	vld [tilespmem:s11+$0xFFFFFF70];
	v0 =	vadd.f32 v4, v3  }
0x1b8: {  	v3 =	vld [tilespmem:s11+$0xFFFFFE70]  }
0x1b9: {  	[tilespmem:s16+$0xE0] =	vst v0;
	v9 =	vld [tilespmem:s16+$0xF0]  }
0x1ba: {  	v1 =	vadd.f32 v5, v2;
	v5 =	vld [tilespmem:s11+$0x0]  }
0x1bb: {  	v0 =	vld [tilespmem:s16+$0xFFFFFF70]  }
.Ltmp2:
0x1bc: {  	[tilespmem:s16+$0xFFFFFFE0] =	vst v1;
	v1 =	vld [tilespmem:s16+$0xFFFFFFF0];
	v2 =	vadd.f32 v8, v7;
	(pc) =	sbr.rel @p0 .LBB2_7-.Ltmp2, $4  }
0x1bd: {  	v4 =	vadd.f32 v3, v6;
	v3 =	vld [tilespmem:s11+$0xFFFFFF00]  }
0x1be: {  	[tilespmem:s16+$0x60] =	vst v2;
	v2 =	vld [tilespmem:s16+$0x70]  }
0x1bf: {  	[tilespmem:s16+$0xFFFFFF60] =	vst v4;
	v4 =	vld [tilespmem:s11+$0xFFFFFF80];
	v6 =	vadd.f32 v5, v9  }
0x1c0: {  	s16 =	sadd.s32 $0x200, s16;
	v5 =	vld [tilespmem:s11+$0xFFFFFE80]  }
0x1c1: {  	_ =	sdelay $0x1  }
0x1c2: {  	v1 =	vadd.f32 v3, v1  }
0x1c3: {  	[tilespmem:s12+$0xF0] =	vst v6;
	v2 =	vadd.f32 v4, v2  }
0x1c4: {  	s11 =	sadd.s32 s6, s26;
	[tilespmem:s12+$0xFFFFFFF0] =	vst v1;
	v0 =	vadd.f32 v5, v0  }
0x1c5: {  	s11 =	sshll.u32 s11, $0x4;
	[tilespmem:s12+$0x70] =	vst v2  }
0x1c6: {  	s17 =	simm.s32 $0x9C00;
	p0 =	seq.s32 s23, $0x9;
	s11 =	sadd.s32 s4, s11;
	[tilespmem:s12+$0xFFFFFF70] =	vst v0  }
0x1c7: {  	[hbm4b:s11+s5] =	stream.linear.scatter [tilespmem:s17], [sflag:$0x8], $0x4000, $0x38;
	[tilespmem:$0x1FC00] =	vst v63  }
0x1c8: {  	s11 =	simm.s32 @!p0 $0x6  }
0x1c9: {  	s12 =	smul.u32 @!p0 $0xA00, s23;
	_ =	swait.ge @!p0 [sflag:s11], $0x4000  }
0x1ca: {  	[sflag:s11] =	ssyncset.done @!p0 $0x0  }
0x1cb: {  	[sflag:s11] =	ssyncadd.s32 @!p0 $0xFFFFC000;
	s11 =	sshra.s32 @!p0 s12, $0x2  }
0x1cc: {  	s15 =	simm.s32 @!p0 $0x80;
	s16 =	simm.s32 @!p0 $0x1C00;
	s12 =	sadd.s32 @!p0 $0x280, s11  }
0x1cd: {  	[tilespmem:s16], [sflag:$0x1] =	stream.indirect.gather @!p0 [hbm4b:s1+s15], $0x80, s12, s15, $0xb8;
	[tilespmem:$0x1FC00] =	vst v63  }
0x1ce: {  	_ =	swait.ge [sflag:s21], $0x4000  }
0x1cf: {  	[sflag:s21] =	ssyncset.done $0x0  }
0x1d0: {  	s12 =	simm.s32 $0xDD00;
	[sflag:s21] =	ssyncadd.s32 $0xFFFFC000  }
0x1d1: {  	v0 =	vld [tilespmem:s12+$0x80]  }
0x1d2: {  	v1 =	vld [tilespmem:s25+$0xFFFFFF90]  }
0x1d3: {  	v2 =	vld [tilespmem:s12+$0xFFFFFF80]  }
0x1d4: {  	v3 =	vld [tilespmem:s25+$0xFFFFFE90]  }
0x1d5: {  	v4 =	vld [tilespmem:s12+$0x0]  }
0x1d6: {  	v5 =	vld [tilespmem:s25+$0xFFFFFF10]  }
0x1d7: {  	v6 =	vld [tilespmem:s12+$0xFFFFFF00];
	v0 =	vadd.f32 v1, v0  }
0x1d8: {  	v1 =	vld [tilespmem:s25+$0xFFFFFE10]  }
0x1d9: {  	[tilespmem:s12+$0x80] =	vst v0;
	v0 =	vld [tilespmem:s12+$0x90]  }
0x1da: {  	v2 =	vadd.f32 v3, v2;
	v3 =	vld [tilespmem:s25+$0xFFFFFFA0]  }
0x1db: {  	v7 =	vld [tilespmem:s12+$0xFFFFFF10]  }
0x1dc: {  	[tilespmem:s12+$0xFFFFFF80] =	vst v2;
	v2 =	vadd.f32 v5, v4;
	v4 =	vld [tilespmem:s12+$0xFFFFFF90]  }
0x1dd: {  	v5 =	vld [tilespmem:s25+$0xFFFFFEA0];
	v1 =	vadd.f32 v1, v6  }
0x1de: {  	[tilespmem:s12+$0x0] =	vst v2;
	v2 =	vld [tilespmem:s12+$0x10]  }
0x1df: {  	v6 =	vld [tilespmem:s25+$0xFFFFFF20];
	[tilespmem:s12+$0xFFFFFF00] =	vst v1;
	v0 =	vadd.f32 v3, v0  }
0x1e0: {  	v1 =	vld [tilespmem:s25+$0xFFFFFE20]  }
0x1e1: {  	[tilespmem:s12+$0x90] =	vst v0;
	v0 =	vld [tilespmem:s12+$0xA0]  }
0x1e2: {  	v3 =	vadd.f32 v5, v4;
	v4 =	vld [tilespmem:s25+$0xFFFFFFB0]  }
0x1e3: {  	v5 =	vld [tilespmem:s12+$0xFFFFFF20]  }
0x1e4: {  	[tilespmem:s12+$0xFFFFFF90] =	vst v3;
	v2 =	vadd.f32 v6, v2;
	v3 =	vld [tilespmem:s12+$0xFFFFFFA0]  }
0x1e5: {  	v6 =	vld [tilespmem:s25+$0xFFFFFEB0];
	v1 =	vadd.f32 v1, v7  }
0x1e6: {  	[tilespmem:s12+$0x10] =	vst v2;
	v2 =	vld [tilespmem:s12+$0x20]  }
0x1e7: {  	v7 =	vld [tilespmem:s25+$0xFFFFFF30];
	[tilespmem:s12+$0xFFFFFF10] =	vst v1;
	v0 =	vadd.f32 v4, v0  }
0x1e8: {  	v1 =	vld [tilespmem:s25+$0xFFFFFE30]  }
0x1e9: {  	[tilespmem:s12+$0xA0] =	vst v0;
	v0 =	vld [tilespmem:s12+$0xB0]  }
0x1ea: {  	v3 =	vadd.f32 v6, v3;
	v4 =	vld [tilespmem:s25+$0xFFFFFFC0]  }
0x1eb: {  	v6 =	vld [tilespmem:s12+$0xFFFFFF30]  }
0x1ec: {  	[tilespmem:s12+$0xFFFFFFA0] =	vst v3;
	v2 =	vadd.f32 v7, v2;
	v3 =	vld [tilespmem:s12+$0xFFFFFFB0]  }
0x1ed: {  	v7 =	vld [tilespmem:s25+$0xFFFFFEC0];
	v1 =	vadd.f32 v1, v5  }
0x1ee: {  	[tilespmem:s12+$0x20] =	vst v2;
	v2 =	vld [tilespmem:s12+$0x30]  }
0x1ef: {  	v5 =	vld [tilespmem:s25+$0xFFFFFF40];
	[tilespmem:s12+$0xFFFFFF20] =	vst v1;
	v0 =	vadd.f32 v4, v0  }
0x1f0: {  	v1 =	vld [tilespmem:s25+$0xFFFFFE40]  }
0x1f1: {  	[tilespmem:s12+$0xB0] =	vst v0;
	v0 =	vld [tilespmem:s12+$0xC0]  }
0x1f2: {  	v3 =	vadd.f32 v7, v3;
	v4 =	vld [tilespmem:s25+$0xFFFFFFD0]  }
0x1f3: {  	v7 =	vld [tilespmem:s12+$0xFFFFFF40]  }
0x1f4: {  	[tilespmem:s12+$0xFFFFFFB0] =	vst v3;
	v2 =	vadd.f32 v5, v2;
	v3 =	vld [tilespmem:s12+$0xFFFFFFC0]  }
0x1f5: {  	v5 =	vld [tilespmem:s25+$0xFFFFFED0];
	v1 =	vadd.f32 v1, v6  }
0x1f6: {  	[tilespmem:s12+$0x30] =	vst v2;
	v2 =	vld [tilespmem:s12+$0x40]  }
0x1f7: {  	v6 =	vld [tilespmem:s25+$0xFFFFFF50];
	[tilespmem:s12+$0xFFFFFF30] =	vst v1;
	v0 =	vadd.f32 v4, v0  }
0x1f8: {  	v1 =	vld [tilespmem:s25+$0xFFFFFE50]  }
0x1f9: {  	[tilespmem:s12+$0xC0] =	vst v0;
	v0 =	vld [tilespmem:s12+$0xD0]  }
0x1fa: {  	v3 =	vadd.f32 v5, v3;
	v4 =	vld [tilespmem:s25+$0xFFFFFFE0]  }
0x1fb: {  	v5 =	vld [tilespmem:s12+$0xFFFFFF50]  }
0x1fc: {  	[tilespmem:s12+$0xFFFFFFC0] =	vst v3;
	v2 =	vadd.f32 v6, v2;
	v3 =	vld [tilespmem:s12+$0xFFFFFFD0]  }
0x1fd: {  	v6 =	vld [tilespmem:s25+$0xFFFFFEE0];
	v1 =	vadd.f32 v1, v7  }
0x1fe: {  	[tilespmem:s12+$0x40] =	vst v2;
	v2 =	vld [tilespmem:s12+$0x50]  }
0x1ff: {  	v7 =	vld [tilespmem:s25+$0xFFFFFF60];
	[tilespmem:s12+$0xFFFFFF40] =	vst v1;
	v0 =	vadd.f32 v4, v0  }
0x200: {  	v1 =	vld [tilespmem:s25+$0xFFFFFE60]  }
0x201: {  	[tilespmem:s12+$0xD0] =	vst v0;
	v0 =	vld [tilespmem:s12+$0xE0]  }
0x202: {  	v3 =	vadd.f32 v6, v3;
	v4 =	vld [tilespmem:s25+$0xFFFFFFF0]  }
0x203: {  	v6 =	vld [tilespmem:s12+$0xFFFFFF60]  }
0x204: {  	[tilespmem:s12+$0xFFFFFFD0] =	vst v3;
	v2 =	vadd.f32 v7, v2;
	v3 =	vld [tilespmem:s12+$0xFFFFFFE0]  }
0x205: {  	v7 =	vld [tilespmem:s25+$0xFFFFFEF0];
	v1 =	vadd.f32 v1, v5  }
0x206: {  	[tilespmem:s12+$0x50] =	vst v2;
	v2 =	vld [tilespmem:s12+$0x60]  }
0x207: {  	v5 =	vld [tilespmem:s25+$0xFFFFFF70];
	[tilespmem:s12+$0xFFFFFF50] =	vst v1;
	v0 =	vadd.f32 v4, v0  }
0x208: {  	v4 =	vld [tilespmem:s25+$0xFFFFFE70]  }
0x209: {  	v8 =	vld [tilespmem:s12+$0xF0];
	[tilespmem:s12+$0xE0] =	vst v0  }
0x20a: {  	v1 =	vadd.f32 v7, v3;
	v7 =	vld [tilespmem:s25+$0x0]  }
0x20b: {  	v0 =	vld [tilespmem:s12+$0xFFFFFF70]  }
0x20c: {  	[tilespmem:s12+$0xFFFFFFE0] =	vst v1;
	v2 =	vadd.f32 v5, v2;
	v1 =	vld [tilespmem:s12+$0xFFFFFFF0]  }
0x20d: {  	v3 =	vld [tilespmem:s25+$0xFFFFFF00];
	v4 =	vadd.f32 v4, v6  }
0x20e: {  	[tilespmem:s12+$0x60] =	vst v2;
	v2 =	vld [tilespmem:s12+$0x70]  }
0x20f: {  	[tilespmem:s12+$0xFFFFFF60] =	vst v4;
	v4 =	vld [tilespmem:s25+$0xFFFFFF80];
	v6 =	vadd.f32 v7, v8  }
0x210: {  	s15 =	simm.s32 $0x0;
	s16 =	simm.s32 $0xDF00;
	v5 =	vld [tilespmem:s25+$0xFFFFFE80]  }
.LBB2_9:
0x211: {  	v7 =	vld [tilespmem:s16+$0x80];
	[tilespmem:s12+$0xF0] =	vst v6;
	s25 =	sadd.s32 $0x200, s25  }
0x212: {  	s15 =	sadd.s32 $0x4, s15;
	v6 =	vld [tilespmem:s25+$0xFFFFFF90];
	v1 =	vadd.f32 v3, v1  }
0x213: {  	p1 =	slt.u32 s15, $0x7C;
	v3 =	vld [tilespmem:s25+$0xFFFFFE10]  }
0x214: {  	v8 =	vld [tilespmem:s16+$0xFFFFFF80];
	[tilespmem:s12+$0xFFFFFFF0] =	vst v1;
	v1 =	vadd.f32 v4, v2  }
0x215: {  	v2 =	vld [tilespmem:s25+$0xFFFFFE90];
	v0 =	vadd.f32 v5, v0  }
0x216: {  	v4 =	vld [tilespmem:s16+$0x0];
	[tilespmem:s12+$0x70] =	vst v1  }
0x217: {  	v1 =	vld [tilespmem:s25+$0xFFFFFF10];
	v5 =	vadd.f32 v6, v7;
	[tilespmem:s12+$0xFFFFFF70] =	vst v0;
	s12 =	smov.u32 s16  }
0x218: {  	v0 =	vld [tilespmem:s16+$0xFFFFFF00]  }
0x219: {  	[tilespmem:s16+$0x80] =	vst v5;
	v5 =	vld [tilespmem:s16+$0x90]  }
0x21a: {  	v2 =	vadd.f32 v2, v8;
	v6 =	vld [tilespmem:s25+$0xFFFFFFA0]  }
0x21b: {  	v7 =	vld [tilespmem:s16+$0xFFFFFF10]  }
0x21c: {  	[tilespmem:s16+$0xFFFFFF80] =	vst v2;
	v2 =	vld [tilespmem:s16+$0xFFFFFF90];
	v1 =	vadd.f32 v1, v4  }
0x21d: {  	v0 =	vadd.f32 v3, v0;
	v3 =	vld [tilespmem:s25+$0xFFFFFEA0]  }
0x21e: {  	[tilespmem:s16+$0x0] =	vst v1;
	v1 =	vld [tilespmem:s16+$0x10]  }
0x21f: {  	[tilespmem:s16+$0xFFFFFF00] =	vst v0;
	v0 =	vld [tilespmem:s25+$0xFFFFFF20];
	v4 =	vadd.f32 v6, v5  }
0x220: {  	v5 =	vld [tilespmem:s25+$0xFFFFFE20]  }
0x221: {  	[tilespmem:s16+$0x90] =	vst v4;
	v4 =	vld [tilespmem:s16+$0xA0]  }
0x222: {  	v2 =	vadd.f32 v3, v2;
	v3 =	vld [tilespmem:s25+$0xFFFFFFB0]  }
0x223: {  	v6 =	vld [tilespmem:s16+$0xFFFFFF20]  }
0x224: {  	[tilespmem:s16+$0xFFFFFF90] =	vst v2;
	v2 =	vld [tilespmem:s16+$0xFFFFFFA0];
	v0 =	vadd.f32 v0, v1  }
0x225: {  	v1 =	vadd.f32 v5, v7;
	v5 =	vld [tilespmem:s25+$0xFFFFFEB0]  }
0x226: {  	[tilespmem:s16+$0x10] =	vst v0;
	v0 =	vld [tilespmem:s16+$0x20]  }
0x227: {  	[tilespmem:s16+$0xFFFFFF10] =	vst v1;
	v1 =	vld [tilespmem:s25+$0xFFFFFF30];
	v3 =	vadd.f32 v3, v4  }
0x228: {  	v4 =	vld [tilespmem:s25+$0xFFFFFE30]  }
0x229: {  	[tilespmem:s16+$0xA0] =	vst v3;
	v3 =	vld [tilespmem:s16+$0xB0]  }
0x22a: {  	v2 =	vadd.f32 v5, v2;
	v5 =	vld [tilespmem:s25+$0xFFFFFFC0]  }
0x22b: {  	v7 =	vld [tilespmem:s16+$0xFFFFFF30]  }
0x22c: {  	[tilespmem:s16+$0xFFFFFFA0] =	vst v2;
	v2 =	vld [tilespmem:s16+$0xFFFFFFB0];
	v0 =	vadd.f32 v1, v0  }
0x22d: {  	v1 =	vadd.f32 v4, v6;
	v4 =	vld [tilespmem:s25+$0xFFFFFEC0]  }
0x22e: {  	[tilespmem:s16+$0x20] =	vst v0;
	v0 =	vld [tilespmem:s16+$0x30]  }
0x22f: {  	[tilespmem:s16+$0xFFFFFF20] =	vst v1;
	v1 =	vld [tilespmem:s25+$0xFFFFFF40];
	v3 =	vadd.f32 v5, v3  }
0x230: {  	v5 =	vld [tilespmem:s25+$0xFFFFFE40]  }
0x231: {  	[tilespmem:s16+$0xB0] =	vst v3;
	v3 =	vld [tilespmem:s16+$0xC0]  }
0x232: {  	v2 =	vadd.f32 v4, v2;
	v4 =	vld [tilespmem:s25+$0xFFFFFFD0]  }
0x233: {  	v6 =	vld [tilespmem:s16+$0xFFFFFF40]  }
0x234: {  	[tilespmem:s16+$0xFFFFFFB0] =	vst v2;
	v2 =	vld [tilespmem:s16+$0xFFFFFFC0];
	v0 =	vadd.f32 v1, v0  }
0x235: {  	v1 =	vadd.f32 v5, v7;
	v5 =	vld [tilespmem:s25+$0xFFFFFED0]  }
0x236: {  	[tilespmem:s16+$0x30] =	vst v0;
	v0 =	vld [tilespmem:s16+$0x40]  }
0x237: {  	[tilespmem:s16+$0xFFFFFF30] =	vst v1;
	v1 =	vld [tilespmem:s25+$0xFFFFFF50];
	v3 =	vadd.f32 v4, v3  }
0x238: {  	v4 =	vld [tilespmem:s25+$0xFFFFFE50]  }
0x239: {  	[tilespmem:s16+$0xC0] =	vst v3;
	v3 =	vld [tilespmem:s16+$0xD0]  }
0x23a: {  	v2 =	vadd.f32 v5, v2;
	v5 =	vld [tilespmem:s25+$0xFFFFFFE0]  }
0x23b: {  	v7 =	vld [tilespmem:s16+$0xFFFFFF50]  }
0x23c: {  	[tilespmem:s16+$0xFFFFFFC0] =	vst v2;
	v2 =	vld [tilespmem:s16+$0xFFFFFFD0];
	v0 =	vadd.f32 v1, v0  }
0x23d: {  	v1 =	vadd.f32 v4, v6;
	v4 =	vld [tilespmem:s25+$0xFFFFFEE0]  }
0x23e: {  	[tilespmem:s16+$0x40] =	vst v0;
	v0 =	vld [tilespmem:s16+$0x50]  }
0x23f: {  	[tilespmem:s16+$0xFFFFFF40] =	vst v1;
	v1 =	vld [tilespmem:s25+$0xFFFFFF60];
	v3 =	vadd.f32 v5, v3  }
0x240: {  	v5 =	vld [tilespmem:s25+$0xFFFFFE60]  }
0x241: {  	[tilespmem:s16+$0xD0] =	vst v3;
	v3 =	vld [tilespmem:s16+$0xE0]  }
0x242: {  	v2 =	vadd.f32 v4, v2;
	v4 =	vld [tilespmem:s25+$0xFFFFFFF0]  }
0x243: {  	v6 =	vld [tilespmem:s16+$0xFFFFFF60]  }
0x244: {  	[tilespmem:s16+$0xFFFFFFD0] =	vst v2;
	v2 =	vld [tilespmem:s16+$0xFFFFFFE0];
	v0 =	vadd.f32 v1, v0  }
0x245: {  	v1 =	vadd.f32 v5, v7;
	v5 =	vld [tilespmem:s25+$0xFFFFFEF0]  }
0x246: {  	[tilespmem:s16+$0x50] =	vst v0;
	v7 =	vld [tilespmem:s16+$0x60]  }
0x247: {  	[tilespmem:s16+$0xFFFFFF50] =	vst v1;
	v8 =	vld [tilespmem:s25+$0xFFFFFF70];
	v0 =	vadd.f32 v4, v3  }
0x248: {  	v3 =	vld [tilespmem:s25+$0xFFFFFE70]  }
0x249: {  	[tilespmem:s16+$0xE0] =	vst v0;
	v9 =	vld [tilespmem:s16+$0xF0]  }
0x24a: {  	v1 =	vadd.f32 v5, v2;
	v5 =	vld [tilespmem:s25+$0x0]  }
0x24b: {  	v0 =	vld [tilespmem:s16+$0xFFFFFF70]  }
.Ltmp3:
0x24c: {  	[tilespmem:s16+$0xFFFFFFE0] =	vst v1;
	v1 =	vld [tilespmem:s16+$0xFFFFFFF0];
	v2 =	vadd.f32 v8, v7;
	(pc) =	sbr.rel @p1 .LBB2_9-.Ltmp3, $4  }
0x24d: {  	v4 =	vadd.f32 v3, v6;
	v3 =	vld [tilespmem:s25+$0xFFFFFF00]  }
0x24e: {  	[tilespmem:s16+$0x60] =	vst v2;
	v2 =	vld [tilespmem:s16+$0x70]  }
0x24f: {  	[tilespmem:s16+$0xFFFFFF60] =	vst v4;
	v4 =	vld [tilespmem:s25+$0xFFFFFF80];
	v6 =	vadd.f32 v5, v9  }
0x250: {  	s16 =	sadd.s32 $0x200, s16;
	v5 =	vld [tilespmem:s25+$0xFFFFFE80]  }
0x251: {  	_ =	sdelay $0x1  }
0x252: {  	v1 =	vadd.f32 v3, v1  }
0x253: {  	[tilespmem:s12+$0xF0] =	vst v6;
	v2 =	vadd.f32 v4, v2  }
0x254: {  	s13 =	sadd.s32 s6, s13;
	[tilespmem:s12+$0xFFFFFFF0] =	vst v1;
	v0 =	vadd.f32 v5, v0  }
0x255: {  	s13 =	sshll.u32 s13, $0x4;
	[tilespmem:s12+$0x70] =	vst v2  }
0x256: {  	s26 =	simm.s32 $0xDC00;
	s25 =	sadd.s32 s4, s13;
	[tilespmem:s12+$0xFFFFFF70] =	vst v0;
	s12 =	simm.s32 @!p0 $0x7  }
0x257: {  	[hbm4b:s25+s5] =	stream.linear.scatter [tilespmem:s26], [sflag:$0x9], $0x4000, $0x38;
	[tilespmem:$0x1FC00] =	vst v63  }
0x258: {  	_ =	swait.ge @!p0 [sflag:s12], $0x4000  }
0x259: {  	s11 =	sadd.s32 @!p0 $0x300, s11;
	[sflag:s12] =	ssyncset.done @!p0 $0x0  }
0x25a: {  	s13 =	simm.s32 @!p0 $0x5C00;
	[sflag:s12] =	ssyncadd.s32 @!p0 $0xFFFFC000;
	s12 =	simm.s32 @!p0 $0x80  }
0x25b: {  	[tilespmem:s13], [sflag:$0x2] =	stream.indirect.gather @!p0 [hbm4b:s1+s12], $0x80, s11, s12, $0xb8;
	[tilespmem:$0x1FC00] =	vst v63  }
0x25c: {  	_ =	swait.ge [sflag:s22], $0x4000  }
0x25d: {  	[sflag:s22] =	ssyncset.done $0x0  }
0x25e: {  	s11 =	simm.s32 $0x11D00;
	[sflag:s22] =	ssyncadd.s32 $0xFFFFC000  }
0x25f: {  	v0 =	vld [tilespmem:s11+$0x80]  }
0x260: {  	v1 =	vld [tilespmem:s24+$0xFFFFFF90]  }
0x261: {  	v2 =	vld [tilespmem:s11+$0xFFFFFF80]  }
0x262: {  	v3 =	vld [tilespmem:s24+$0xFFFFFE90]  }
0x263: {  	v4 =	vld [tilespmem:s11+$0x0]  }
0x264: {  	v5 =	vld [tilespmem:s24+$0xFFFFFF10]  }
0x265: {  	v6 =	vld [tilespmem:s11+$0xFFFFFF00];
	v0 =	vadd.f32 v1, v0  }
0x266: {  	v1 =	vld [tilespmem:s24+$0xFFFFFE10]  }
0x267: {  	[tilespmem:s11+$0x80] =	vst v0;
	v0 =	vld [tilespmem:s11+$0x90]  }
0x268: {  	v2 =	vadd.f32 v3, v2;
	v3 =	vld [tilespmem:s24+$0xFFFFFFA0]  }
0x269: {  	v7 =	vld [tilespmem:s11+$0xFFFFFF10]  }
0x26a: {  	[tilespmem:s11+$0xFFFFFF80] =	vst v2;
	v2 =	vadd.f32 v5, v4;
	v4 =	vld [tilespmem:s11+$0xFFFFFF90]  }
0x26b: {  	v5 =	vld [tilespmem:s24+$0xFFFFFEA0];
	v1 =	vadd.f32 v1, v6  }
0x26c: {  	[tilespmem:s11+$0x0] =	vst v2;
	v2 =	vld [tilespmem:s11+$0x10]  }
0x26d: {  	v6 =	vld [tilespmem:s24+$0xFFFFFF20];
	[tilespmem:s11+$0xFFFFFF00] =	vst v1;
	v0 =	vadd.f32 v3, v0  }
0x26e: {  	v1 =	vld [tilespmem:s24+$0xFFFFFE20]  }
0x26f: {  	[tilespmem:s11+$0x90] =	vst v0;
	v0 =	vld [tilespmem:s11+$0xA0]  }
0x270: {  	v3 =	vadd.f32 v5, v4;
	v4 =	vld [tilespmem:s24+$0xFFFFFFB0]  }
0x271: {  	v5 =	vld [tilespmem:s11+$0xFFFFFF20]  }
0x272: {  	[tilespmem:s11+$0xFFFFFF90] =	vst v3;
	v2 =	vadd.f32 v6, v2;
	v3 =	vld [tilespmem:s11+$0xFFFFFFA0]  }
0x273: {  	v6 =	vld [tilespmem:s24+$0xFFFFFEB0];
	v1 =	vadd.f32 v1, v7  }
0x274: {  	[tilespmem:s11+$0x10] =	vst v2;
	v2 =	vld [tilespmem:s11+$0x20]  }
0x275: {  	v7 =	vld [tilespmem:s24+$0xFFFFFF30];
	[tilespmem:s11+$0xFFFFFF10] =	vst v1;
	v0 =	vadd.f32 v4, v0  }
0x276: {  	v1 =	vld [tilespmem:s24+$0xFFFFFE30]  }
0x277: {  	[tilespmem:s11+$0xA0] =	vst v0;
	v0 =	vld [tilespmem:s11+$0xB0]  }
0x278: {  	v3 =	vadd.f32 v6, v3;
	v4 =	vld [tilespmem:s24+$0xFFFFFFC0]  }
0x279: {  	v6 =	vld [tilespmem:s11+$0xFFFFFF30]  }
0x27a: {  	[tilespmem:s11+$0xFFFFFFA0] =	vst v3;
	v2 =	vadd.f32 v7, v2;
	v3 =	vld [tilespmem:s11+$0xFFFFFFB0]  }
0x27b: {  	v7 =	vld [tilespmem:s24+$0xFFFFFEC0];
	v1 =	vadd.f32 v1, v5  }
0x27c: {  	[tilespmem:s11+$0x20] =	vst v2;
	v2 =	vld [tilespmem:s11+$0x30]  }
0x27d: {  	v5 =	vld [tilespmem:s24+$0xFFFFFF40];
	[tilespmem:s11+$0xFFFFFF20] =	vst v1;
	v0 =	vadd.f32 v4, v0  }
0x27e: {  	v1 =	vld [tilespmem:s24+$0xFFFFFE40]  }
0x27f: {  	[tilespmem:s11+$0xB0] =	vst v0;
	v0 =	vld [tilespmem:s11+$0xC0]  }
0x280: {  	v3 =	vadd.f32 v7, v3;
	v4 =	vld [tilespmem:s24+$0xFFFFFFD0]  }
0x281: {  	v7 =	vld [tilespmem:s11+$0xFFFFFF40]  }
0x282: {  	[tilespmem:s11+$0xFFFFFFB0] =	vst v3;
	v2 =	vadd.f32 v5, v2;
	v3 =	vld [tilespmem:s11+$0xFFFFFFC0]  }
0x283: {  	v5 =	vld [tilespmem:s24+$0xFFFFFED0];
	v1 =	vadd.f32 v1, v6  }
0x284: {  	[tilespmem:s11+$0x30] =	vst v2;
	v2 =	vld [tilespmem:s11+$0x40]  }
0x285: {  	v6 =	vld [tilespmem:s24+$0xFFFFFF50];
	[tilespmem:s11+$0xFFFFFF30] =	vst v1;
	v0 =	vadd.f32 v4, v0  }
0x286: {  	v1 =	vld [tilespmem:s24+$0xFFFFFE50]  }
0x287: {  	[tilespmem:s11+$0xC0] =	vst v0;
	v0 =	vld [tilespmem:s11+$0xD0]  }
0x288: {  	v3 =	vadd.f32 v5, v3;
	v4 =	vld [tilespmem:s24+$0xFFFFFFE0]  }
0x289: {  	v5 =	vld [tilespmem:s11+$0xFFFFFF50]  }
0x28a: {  	[tilespmem:s11+$0xFFFFFFC0] =	vst v3;
	v2 =	vadd.f32 v6, v2;
	v3 =	vld [tilespmem:s11+$0xFFFFFFD0]  }
0x28b: {  	v6 =	vld [tilespmem:s24+$0xFFFFFEE0];
	v1 =	vadd.f32 v1, v7  }
0x28c: {  	[tilespmem:s11+$0x40] =	vst v2;
	v2 =	vld [tilespmem:s11+$0x50]  }
0x28d: {  	v7 =	vld [tilespmem:s24+$0xFFFFFF60];
	[tilespmem:s11+$0xFFFFFF40] =	vst v1;
	v0 =	vadd.f32 v4, v0  }
0x28e: {  	v1 =	vld [tilespmem:s24+$0xFFFFFE60]  }
0x28f: {  	[tilespmem:s11+$0xD0] =	vst v0;
	v0 =	vld [tilespmem:s11+$0xE0]  }
0x290: {  	v3 =	vadd.f32 v6, v3;
	v4 =	vld [tilespmem:s24+$0xFFFFFFF0]  }
0x291: {  	v6 =	vld [tilespmem:s11+$0xFFFFFF60]  }
0x292: {  	[tilespmem:s11+$0xFFFFFFD0] =	vst v3;
	v2 =	vadd.f32 v7, v2;
	v3 =	vld [tilespmem:s11+$0xFFFFFFE0]  }
0x293: {  	v7 =	vld [tilespmem:s24+$0xFFFFFEF0];
	v1 =	vadd.f32 v1, v5  }
0x294: {  	[tilespmem:s11+$0x50] =	vst v2;
	v2 =	vld [tilespmem:s11+$0x60]  }
0x295: {  	v5 =	vld [tilespmem:s24+$0xFFFFFF70];
	[tilespmem:s11+$0xFFFFFF50] =	vst v1;
	v0 =	vadd.f32 v4, v0  }
0x296: {  	v4 =	vld [tilespmem:s24+$0xFFFFFE70]  }
0x297: {  	v8 =	vld [tilespmem:s11+$0xF0];
	[tilespmem:s11+$0xE0] =	vst v0  }
0x298: {  	v1 =	vadd.f32 v7, v3;
	v7 =	vld [tilespmem:s24+$0x0]  }
0x299: {  	v0 =	vld [tilespmem:s11+$0xFFFFFF70]  }
0x29a: {  	[tilespmem:s11+$0xFFFFFFE0] =	vst v1;
	v2 =	vadd.f32 v5, v2;
	v1 =	vld [tilespmem:s11+$0xFFFFFFF0]  }
0x29b: {  	v3 =	vld [tilespmem:s24+$0xFFFFFF00];
	v4 =	vadd.f32 v4, v6  }
0x29c: {  	[tilespmem:s11+$0x60] =	vst v2;
	v2 =	vld [tilespmem:s11+$0x70]  }
0x29d: {  	[tilespmem:s11+$0xFFFFFF60] =	vst v4;
	v4 =	vld [tilespmem:s24+$0xFFFFFF80];
	v6 =	vadd.f32 v7, v8  }
0x29e: {  	s12 =	simm.s32 $0x0;
	s13 =	simm.s32 $0x11F00;
	v5 =	vld [tilespmem:s24+$0xFFFFFE80]  }
.LBB2_11:
0x29f: {  	v7 =	vld [tilespmem:s13+$0x80];
	[tilespmem:s11+$0xF0] =	vst v6;
	s24 =	sadd.s32 $0x200, s24  }
0x2a0: {  	s12 =	sadd.s32 $0x4, s12;
	v6 =	vld [tilespmem:s24+$0xFFFFFF90];
	v1 =	vadd.f32 v3, v1  }
0x2a1: {  	p0 =	slt.u32 s12, $0x7C;
	v3 =	vld [tilespmem:s24+$0xFFFFFE10]  }
0x2a2: {  	v8 =	vld [tilespmem:s13+$0xFFFFFF80];
	[tilespmem:s11+$0xFFFFFFF0] =	vst v1;
	v1 =	vadd.f32 v4, v2  }
0x2a3: {  	v2 =	vld [tilespmem:s24+$0xFFFFFE90];
	v0 =	vadd.f32 v5, v0  }
0x2a4: {  	v4 =	vld [tilespmem:s13+$0x0];
	[tilespmem:s11+$0x70] =	vst v1  }
0x2a5: {  	v1 =	vld [tilespmem:s24+$0xFFFFFF10];
	v5 =	vadd.f32 v6, v7;
	[tilespmem:s11+$0xFFFFFF70] =	vst v0;
	s11 =	smov.u32 s13  }
0x2a6: {  	v0 =	vld [tilespmem:s13+$0xFFFFFF00]  }
0x2a7: {  	[tilespmem:s13+$0x80] =	vst v5;
	v5 =	vld [tilespmem:s13+$0x90]  }
0x2a8: {  	v2 =	vadd.f32 v2, v8;
	v6 =	vld [tilespmem:s24+$0xFFFFFFA0]  }
0x2a9: {  	v7 =	vld [tilespmem:s13+$0xFFFFFF10]  }
0x2aa: {  	[tilespmem:s13+$0xFFFFFF80] =	vst v2;
	v2 =	vld [tilespmem:s13+$0xFFFFFF90];
	v1 =	vadd.f32 v1, v4  }
0x2ab: {  	v0 =	vadd.f32 v3, v0;
	v3 =	vld [tilespmem:s24+$0xFFFFFEA0]  }
0x2ac: {  	[tilespmem:s13+$0x0] =	vst v1;
	v1 =	vld [tilespmem:s13+$0x10]  }
0x2ad: {  	[tilespmem:s13+$0xFFFFFF00] =	vst v0;
	v0 =	vld [tilespmem:s24+$0xFFFFFF20];
	v4 =	vadd.f32 v6, v5  }
0x2ae: {  	v5 =	vld [tilespmem:s24+$0xFFFFFE20]  }
0x2af: {  	[tilespmem:s13+$0x90] =	vst v4;
	v4 =	vld [tilespmem:s13+$0xA0]  }
0x2b0: {  	v2 =	vadd.f32 v3, v2;
	v3 =	vld [tilespmem:s24+$0xFFFFFFB0]  }
0x2b1: {  	v6 =	vld [tilespmem:s13+$0xFFFFFF20]  }
0x2b2: {  	[tilespmem:s13+$0xFFFFFF90] =	vst v2;
	v2 =	vld [tilespmem:s13+$0xFFFFFFA0];
	v0 =	vadd.f32 v0, v1  }
0x2b3: {  	v1 =	vadd.f32 v5, v7;
	v5 =	vld [tilespmem:s24+$0xFFFFFEB0]  }
0x2b4: {  	[tilespmem:s13+$0x10] =	vst v0;
	v0 =	vld [tilespmem:s13+$0x20]  }
0x2b5: {  	[tilespmem:s13+$0xFFFFFF10] =	vst v1;
	v1 =	vld [tilespmem:s24+$0xFFFFFF30];
	v3 =	vadd.f32 v3, v4  }
0x2b6: {  	v4 =	vld [tilespmem:s24+$0xFFFFFE30]  }
0x2b7: {  	[tilespmem:s13+$0xA0] =	vst v3;
	v3 =	vld [tilespmem:s13+$0xB0]  }
0x2b8: {  	v2 =	vadd.f32 v5, v2;
	v5 =	vld [tilespmem:s24+$0xFFFFFFC0]  }
0x2b9: {  	v7 =	vld [tilespmem:s13+$0xFFFFFF30]  }
0x2ba: {  	[tilespmem:s13+$0xFFFFFFA0] =	vst v2;
	v2 =	vld [tilespmem:s13+$0xFFFFFFB0];
	v0 =	vadd.f32 v1, v0  }
0x2bb: {  	v1 =	vadd.f32 v4, v6;
	v4 =	vld [tilespmem:s24+$0xFFFFFEC0]  }
0x2bc: {  	[tilespmem:s13+$0x20] =	vst v0;
	v0 =	vld [tilespmem:s13+$0x30]  }
0x2bd: {  	[tilespmem:s13+$0xFFFFFF20] =	vst v1;
	v1 =	vld [tilespmem:s24+$0xFFFFFF40];
	v3 =	vadd.f32 v5, v3  }
0x2be: {  	v5 =	vld [tilespmem:s24+$0xFFFFFE40]  }
0x2bf: {  	[tilespmem:s13+$0xB0] =	vst v3;
	v3 =	vld [tilespmem:s13+$0xC0]  }
0x2c0: {  	v2 =	vadd.f32 v4, v2;
	v4 =	vld [tilespmem:s24+$0xFFFFFFD0]  }
0x2c1: {  	v6 =	vld [tilespmem:s13+$0xFFFFFF40]  }
0x2c2: {  	[tilespmem:s13+$0xFFFFFFB0] =	vst v2;
	v2 =	vld [tilespmem:s13+$0xFFFFFFC0];
	v0 =	vadd.f32 v1, v0  }
0x2c3: {  	v1 =	vadd.f32 v5, v7;
	v5 =	vld [tilespmem:s24+$0xFFFFFED0]  }
0x2c4: {  	[tilespmem:s13+$0x30] =	vst v0;
	v0 =	vld [tilespmem:s13+$0x40]  }
0x2c5: {  	[tilespmem:s13+$0xFFFFFF30] =	vst v1;
	v1 =	vld [tilespmem:s24+$0xFFFFFF50];
	v3 =	vadd.f32 v4, v3  }
0x2c6: {  	v4 =	vld [tilespmem:s24+$0xFFFFFE50]  }
0x2c7: {  	[tilespmem:s13+$0xC0] =	vst v3;
	v3 =	vld [tilespmem:s13+$0xD0]  }
0x2c8: {  	v2 =	vadd.f32 v5, v2;
	v5 =	vld [tilespmem:s24+$0xFFFFFFE0]  }
0x2c9: {  	v7 =	vld [tilespmem:s13+$0xFFFFFF50]  }
0x2ca: {  	[tilespmem:s13+$0xFFFFFFC0] =	vst v2;
	v2 =	vld [tilespmem:s13+$0xFFFFFFD0];
	v0 =	vadd.f32 v1, v0  }
0x2cb: {  	v1 =	vadd.f32 v4, v6;
	v4 =	vld [tilespmem:s24+$0xFFFFFEE0]  }
0x2cc: {  	[tilespmem:s13+$0x40] =	vst v0;
	v0 =	vld [tilespmem:s13+$0x50]  }
0x2cd: {  	[tilespmem:s13+$0xFFFFFF40] =	vst v1;
	v1 =	vld [tilespmem:s24+$0xFFFFFF60];
	v3 =	vadd.f32 v5, v3  }
0x2ce: {  	v5 =	vld [tilespmem:s24+$0xFFFFFE60]  }
0x2cf: {  	[tilespmem:s13+$0xD0] =	vst v3;
	v3 =	vld [tilespmem:s13+$0xE0]  }
0x2d0: {  	v2 =	vadd.f32 v4, v2;
	v4 =	vld [tilespmem:s24+$0xFFFFFFF0]  }
0x2d1: {  	v6 =	vld [tilespmem:s13+$0xFFFFFF60]  }
0x2d2: {  	[tilespmem:s13+$0xFFFFFFD0] =	vst v2;
	v2 =	vld [tilespmem:s13+$0xFFFFFFE0];
	v0 =	vadd.f32 v1, v0  }
0x2d3: {  	v1 =	vadd.f32 v5, v7;
	v5 =	vld [tilespmem:s24+$0xFFFFFEF0]  }
0x2d4: {  	[tilespmem:s13+$0x50] =	vst v0;
	v7 =	vld [tilespmem:s13+$0x60]  }
0x2d5: {  	[tilespmem:s13+$0xFFFFFF50] =	vst v1;
	v8 =	vld [tilespmem:s24+$0xFFFFFF70];
	v0 =	vadd.f32 v4, v3  }
0x2d6: {  	v3 =	vld [tilespmem:s24+$0xFFFFFE70]  }
0x2d7: {  	[tilespmem:s13+$0xE0] =	vst v0;
	v9 =	vld [tilespmem:s13+$0xF0]  }
0x2d8: {  	v1 =	vadd.f32 v5, v2;
	v5 =	vld [tilespmem:s24+$0x0]  }
0x2d9: {  	v0 =	vld [tilespmem:s13+$0xFFFFFF70]  }
.Ltmp4:
0x2da: {  	[tilespmem:s13+$0xFFFFFFE0] =	vst v1;
	v1 =	vld [tilespmem:s13+$0xFFFFFFF0];
	v2 =	vadd.f32 v8, v7;
	(pc) =	sbr.rel @p0 .LBB2_11-.Ltmp4, $4  }
0x2db: {  	v4 =	vadd.f32 v3, v6;
	v3 =	vld [tilespmem:s24+$0xFFFFFF00]  }
0x2dc: {  	[tilespmem:s13+$0x60] =	vst v2;
	v2 =	vld [tilespmem:s13+$0x70]  }
0x2dd: {  	[tilespmem:s13+$0xFFFFFF60] =	vst v4;
	v4 =	vld [tilespmem:s24+$0xFFFFFF80];
	v6 =	vadd.f32 v5, v9  }
0x2de: {  	s13 =	sadd.s32 $0x200, s13;
	v5 =	vld [tilespmem:s24+$0xFFFFFE80]  }
0x2df: {  	_ = 	snop  }
0x2e0: {  	s23 =	sadd.s32 $0x1, s23  }
0x2e1: {  	s12 =	sadd.s32 s6, s28;
	s29 =	sadd.s32 $0x14000, s29;
	v1 =	vadd.f32 v3, v1;
	p0 =	sne.s32 s23, $0xA  }
.Ltmp5:
0x2e2: {  	[tilespmem:s11+$0xF0] =	vst v6;
	s9 =	sadd.s32 $0x280, s9;
	s30 =	sadd.s32 $0x14000, s30;
	v2 =	vadd.f32 v4, v2;
	(pc) =	sbr.rel @p0 .LBB2_2-.Ltmp5, $4  }
0x2e3: {  	s8 =	sadd.s32 $0x280, s8;
	s31 =	sadd.s32 $0x14000, s31;
	s2 =	sadd.s32 $0x280, s2;
	[tilespmem:s11+$0xFFFFFFF0] =	vst v1;
	v0 =	vadd.f32 v5, v0  }
0x2e4: {  	s0 =	sadd.s32 $0x14000, s0;
	s3 =	sadd.s32 $0x280, s3;
	s12 =	sshll.u32 s12, $0x4;
	[tilespmem:s11+$0x70] =	vst v2  }
0x2e5: {  	s10 =	sadd.s32 $0x14000, s10;
	s7 =	sadd.s32 $0x280, s7;
	s28 =	sadd.s32 s4, s12;
	[tilespmem:s11+$0xFFFFFF70] =	vst v0  }
0x2e6: {  	[hbm4b:s28+s5] =	stream.linear.scatter [tilespmem:s19], [sflag:$0xA], $0x4000, $0x38;
	[tilespmem:$0x1FC00] =	vst v63  }
0x2e7: {  	s0 =	simm.s32 $0x6  }
0x2e8: {  	_ =	swait.ge [sflag:s0], $0x4000  }
0x2e9: {  	[sflag:s0] =	ssyncset.done $0x0  }
0x2ea: {  	s28 =	simm.s32 $0x7;
	[sflag:s0] =	ssyncadd.s32 $0xFFFFC000  }
0x2eb: {  	_ =	swait.ge [sflag:s28], $0x4000  }
0x2ec: {  	[sflag:s28] =	ssyncset.done $0x0  }
0x2ed: {  	s29 =	simm.s32 $0x8;
	[sflag:s28] =	ssyncadd.s32 $0xFFFFC000  }
0x2ee: {  	_ =	swait.ge [sflag:s29], $0x4000  }
0x2ef: {  	[sflag:s29] =	ssyncset.done $0x0  }
0x2f0: {  	s30 =	simm.s32 $0x9;
	[sflag:s29] =	ssyncadd.s32 $0xFFFFC000  }
0x2f1: {  	_ =	swait.ge [sflag:s30], $0x4000  }
0x2f2: {  	[sflag:s30] =	ssyncset.done $0x0  }
0x2f3: {  	s3 =	simm.s32 $0xA;
	[sflag:s30] =	ssyncadd.s32 $0xFFFFC000  }
0x2f4: {  	_ =	swait.ge [sflag:s3], $0x4000  }
0x2f5: {  	s2 =	rddreg [dreg:$0x7]  }
0x2f6: {  	s31 =	rddreg [dreg:$0x6];
	s2 =	sadd.s32 $0x1, s2  }
0x2f7: {  	p0 =	sne.s32 s2, s31  }
.Ltmp6:
0x2f8: {  	_ = 	snop;
	(pc) =	sbr.rel @p0 .LBB2_1-.Ltmp6, $3  }
0x2f9: {  	_ =	sdelay $0x1  }
0x2fa: {  	[sflag:s3] =	ssyncset.done $0x0  }
0x2fb: {  	[sflag:s3] =	ssyncadd.s32 $0xFFFFC000  }
0x2fc: {  	_ =	sfence.sel $0x180000  }
0x2fd: {  	[bflag:$0x0] =	sbarrier.arrive $0xFFFF  }
0x2fe: {  	_ =	strace $0x90000047  }
0x2ff: {  	s0 =	stileid.u32;
	[bflag:$0x2] =	sbarrier.arrive $0xFFFF  }
0x300: {  	p0 =	sne.s32 s0, $0x0;
	s0 =	rddreg [dreg:$0x4]  }
0x301: {  	s0 =	sadd.s32 @!p0 $0x100000, s0  }
0x302: {  	[sflag:s0] =	ssyncadd.tile.s32 @!p0 $0x1;
	_ =	shalt  }
.Lfunc_end2:
_tile_overlayer_lowered:
.L_overlay_start_2:
0x303: {  	(tag) =	ssettag $0x2  }
0x304: {  	s0 =	rddreg [dreg:$0x0];
	s2 =	stileid.u32  }
0x305: {  	s1 =	rddreg [dreg:$0x1];
	p0 =	sne.s32 s2, $0x0  }
0x306: {  	s3 =	rddreg [dreg:$0x2];
	[bflag:$0x3] =	sbarrier.arrive $0xFFFF;
	s2 =	simm.s32 @!p0 $0x1C0B  }
0x307: {  	[timem:s3], [sflag:s2] =	dma.local @!p0 [hbm:s0], s1  }
0x308: {  	s0 =	simm.s32 @!p0 $0xB  }
0x309: {  	_ =	swait.ge @!p0 [sflag:s0], s1  }
0x30a: {  	s1 =	ssub.s32 @!p0 $0x0, s1;
	[sflag:s0] =	ssyncset.done @!p0 $0x0  }
0x30b: {  	[sflag:s0] =	ssyncadd.s32 @!p0 s1  }
0x30c: {  	[bflag:$0x3] =	sbarrier.arrive $0xFFFF  }
0x30d: {  	_ =	shalt  }

</sc_bundles>
